<compile_context>
chip_gen: v7x
topology: tpu7x:2x2x1
jax: 0.10.2.dev20260603
libtpu: 0.0.44.dev20260713+nightly
codegen_flags: <defaults>
</compile_context>

<pallas_src>
import jax
import jax.numpy as jnp
from jax import lax
from jax.experimental import pallas as pl
from jax.experimental.pallas import tpu as pltpu
from jax.experimental.pallas import tpu_sc as plsc

N = 10000
E = 320000
D = 128
DOUT = 128

NC = 2
NS = 16
NW = NC * NS
EPW = E // NW
C = 80
K = EPW // C
NPAD = 10240
RPT = NPAD // NS
H = C // 2


def _sc_body(h_hbm, src_hbm, dst_hbm, sums_hbm, cnts_hbm,
             acc_sh, cnt_sh, srcs_v, dsts_v, rows0_v, rows1_v, ones_v, zcnt_v,
             sem0, sem1, gsem0, gsem1, ssem0, ssem1):
  cid = lax.axis_index("c")
  sid = lax.axis_index("s")
  w = cid * NS + sid
  rows = (rows0_v, rows1_v)
  sems = (sem0, sem1)
  gsems = (gsem0, gsem1)
  ssems = (ssem0, ssem1)

  @pl.loop(0, C // 16)
  def _(i):
    ones_v[pl.ds(i * 16, 16)] = jnp.ones((16,), jnp.float32)
    zcnt_v[pl.ds(i * 16, 16)] = jnp.zeros((16,), jnp.float32)

  @pl.loop(0, C)
  def _(r):
    for u in range(D // 16):
      rows0_v[r, pl.ds(u * 16, 16)] = jnp.zeros((16,), jnp.float32)

  row0 = sid * RPT
  for t in range(RPT // C):
    pltpu.sync_copy(rows0_v, acc_sh.at[pl.ds(row0 + t * C, C)])
    pltpu.sync_copy(zcnt_v, cnt_sh.at[pl.ds(row0 + t * C, C)])

  pltpu.sync_copy(src_hbm.at[w], srcs_v)
  pltpu.sync_copy(dst_hbm.at[w], dsts_v)

  plsc.subcore_barrier()

  def gather_start(j, b):
    pltpu.async_copy(h_hbm.at[srcs_v.at[pl.ds(j * C, H)]],
                     rows[b].at[pl.ds(0, H)], sems[b])
    pltpu.async_copy(h_hbm.at[srcs_v.at[pl.ds(j * C + H, H)]],
                     rows[b].at[pl.ds(H, H)], gsems[b])

  def gather_wait(j, b):
    pltpu.make_async_copy(h_hbm.at[srcs_v.at[pl.ds(j * C, H)]],
                          rows[b].at[pl.ds(0, H)], sems[b]).wait()
    pltpu.make_async_copy(h_hbm.at[srcs_v.at[pl.ds(j * C + H, H)]],
                          rows[b].at[pl.ds(H, H)], gsems[b]).wait()

  def scatter_start(j, b):
    pltpu.async_copy(rows[b], acc_sh.at[dsts_v.at[j]],
                     ssems[b], add=True)

  def scatter_wait(j, b):
    pltpu.make_async_copy(rows[b], acc_sh.at[dsts_v.at[j]],
                          ssems[b]).wait()

  def counts(j):
    pltpu.sync_copy(ones_v, cnt_sh.at[dsts_v.at[j]], add=True)

  gather_start(0, 0)
  gather_wait(0, 0)
  scatter_start(0, 0)
  gather_start(1, 1)
  counts(0)
  gather_wait(1, 1)
  scatter_start(1, 1)
  scatter_wait(0, 0)
  gather_start(2, 0)
  counts(1)

  @pl.loop(2, K - 1, step=2)
  def _(j0):
    for u in range(2):
      j = j0 + u
      gather_wait(j, u)
      scatter_start(j, u)
      scatter_wait(j - 1, 1 - u)
      gather_start(j + 1, 1 - u)
      counts(j)

  gather_wait(K - 1, 0)
  scatter_start(K - 1, 0)
  scatter_wait(K - 2, 1)
  counts(K - 1)
  scatter_wait(K - 1, 0)

  plsc.subcore_barrier()

  pltpu.sync_copy(acc_sh.at[pl.ds(row0, RPT)], sums_hbm.at[cid, pl.ds(row0, RPT)])
  pltpu.sync_copy(cnt_sh.at[pl.ds(row0, RPT)], cnts_hbm.at[cid, pl.ds(row0, RPT)])


def _sc_aggregate(h, src, dst):
  mesh = plsc.VectorSubcoreMesh(core_axis_name="c", subcore_axis_name="s")
  return pl.kernel(
      _sc_body,
      mesh=mesh,
      out_type=[
          jax.ShapeDtypeStruct((NC, NPAD, D), jnp.float32),
          jax.ShapeDtypeStruct((NC, NPAD), jnp.float32),
      ],
      scratch_types=[
          pltpu.VMEM_SHARED((NPAD, D), jnp.float32),
          pltpu.VMEM_SHARED((NPAD,), jnp.float32),
          pltpu.VMEM((EPW,), jnp.int32),
          pltpu.VMEM((K, C), jnp.int32),
          pltpu.VMEM((C, D), jnp.float32),
          pltpu.VMEM((C, D), jnp.float32),
          pltpu.VMEM((C,), jnp.float32),
          pltpu.VMEM((C,), jnp.float32),
          pltpu.SemaphoreType.DMA,
          pltpu.SemaphoreType.DMA,
          pltpu.SemaphoreType.DMA,
          pltpu.SemaphoreType.DMA,
          pltpu.SemaphoreType.DMA,
          pltpu.SemaphoreType.DMA,
      ],
  )(h, src, dst)


def _tc_self_body(h_ref, w_ref, b_ref, o_ref):
  dn = (((1,), (1,)), ((), ()))
  o_ref[...] = lax.dot_general(h_ref[...], w_ref[:, 0:D], dn,
                               preferred_element_type=jnp.float32) + b_ref[...]


def _tc_self(h, W, b):
  B = 2000
  return pl.pallas_call(
      _tc_self_body,
      grid=(N // B,),
      in_specs=[
          pl.BlockSpec((B, D), lambda i: (i, 0)),
          pl.BlockSpec((DOUT, 2 * D), lambda i: (0, 0)),
          pl.BlockSpec((1, DOUT), lambda i: (0, 0)),
      ],
      out_specs=pl.BlockSpec((B, DOUT), lambda i: (i, 0)),
      out_shape=jax.ShapeDtypeStruct((N, DOUT), jnp.float32),
  )(h, W, b)


def _tc_neigh_body(p_ref, s_ref, c_ref, w_ref, o_ref):
  cnt = jnp.maximum(c_ref[0] + c_ref[1], 1.0)
  h_n = (s_ref[0] + s_ref[1]) / cnt
  dn = (((1,), (1,)), ((), ()))
  o_ref[...] = p_ref[...] + lax.dot_general(
      h_n, w_ref[:, D:2 * D], dn, preferred_element_type=jnp.float32)


def _tc_neigh(part, sums, cnts, W):
  B = 2000
  return pl.pallas_call(
      _tc_neigh_body,
      grid=(N // B,),
      in_specs=[
          pl.BlockSpec((B, DOUT), lambda i: (i, 0)),
          pl.BlockSpec((NC, B, D), lambda i: (0, i, 0)),
          pl.BlockSpec((NC, B, 1), lambda i: (0, i, 0)),
          pl.BlockSpec((DOUT, 2 * D), lambda i: (0, 0)),
      ],
      out_specs=pl.BlockSpec((B, DOUT), lambda i: (i, 0)),
      out_shape=jax.ShapeDtypeStruct((N, DOUT), jnp.float32),
  )(part, sums, cnts, W)


@jax.jit
def kernel(h, edge_index, W, b):
  src = edge_index[0].reshape(NW, EPW)
  dst = edge_index[1].reshape(NW, K, C)
  part = _tc_self(h, W, b.reshape(1, DOUT))
  sums, cnts = _sc_aggregate(h, src, dst)
  return _tc_neigh(part, sums, cnts.reshape(NC, NPAD, 1), W)

# --- scband reference (transcript-rebuilt; emitter-appended) ---
"""Pipeline reference for scband-sageconv-13005160973068 (READ-ONLY COPY).

The authoritative reference and input builder live on the scoring server;
editing this copy changes nothing except your own understanding.
"""

import jax, jax.numpy as jnp
import numpy as np

N_NODES = 10000
N_EDGES = 320000
D_FEAT = 128
D_OUT = 128


def setup_inputs(seed: int = 0) -> dict:
    key = jax.random.key(seed)
    k1, k2, k3, k4 = jax.random.split(key, 4)
    h = jax.random.normal(k1, (N_NODES, D_FEAT), dtype=jnp.float32)
    edge_index = jax.random.randint(k2, (2, N_EDGES), 0, N_NODES, dtype=jnp.int32)
    # Linear(in_feat * 2, out_feat): weight [out, 2*in], bias [out]
    bound = 1.0 / np.sqrt(2 * D_FEAT)
    W = jax.random.uniform(k3, (D_OUT, 2 * D_FEAT), minval=-bound, maxval=bound, dtype=jnp.float32)
    b = jax.random.uniform(k4, (D_OUT,), minval=-bound, maxval=bound, dtype=jnp.float32)
    return {"h": h, "edge_index": edge_index, "W": W, "b": b}


def reference(h, edge_index, W, b):
    # DGL SAGEConv: mean-aggregate neighbor features, concat with self, linear.
    # update_all(copy_u('h','m'), mean('m','h_N')): for each edge (src, dst),
    # message = h[src], reduced by mean over incoming edges at dst.
    src = edge_index[0]
    dst = edge_index[1]
    n = h.shape[0]
    msgs = jnp.take(h, src, axis=0)                       # gather  [E, d]
    summed = jax.ops.segment_sum(msgs, dst, num_segments=n)   # scatter-add [N, d]
    counts = jax.ops.segment_sum(jnp.ones((dst.shape[0],), dtype=h.dtype), dst, num_segments=n)
    h_N = summed / jnp.maximum(counts, 1.0)[:, None]      # mean (0 for isolated nodes)
    h_total = jnp.concatenate([h, h_N], axis=1)           # [N, 2d]
    return h_total @ W.T + b

if __name__ == "__main__":
    import jax
    _d = setup_inputs()
    print(jax.jit(kernel)(*tuple(_d.values())))

</pallas_src>

<mosaic_0001>
#map = affine_map<(d0, d1) -> (0, 0)>
#map1 = affine_map<(d0, d1) -> (0, 0, 0)>
module attributes {stable_mosaic.version = 14 : i64} {
  func.func @_sc_body(%arg0: i32, %arg1: i32, %arg2: memref<10000x128xf32, #tpu.memory_space<hbm>>, %arg3: memref<32x10000xi32, #tpu.memory_space<hbm>>, %arg4: memref<32x125x80xi32, #tpu.memory_space<hbm>>, %arg5: memref<2x10240x128xf32, #tpu.memory_space<hbm>>, %arg6: memref<2x10240xf32, #tpu.memory_space<hbm>>, %arg7: memref<10240x128xf32, #tpu.memory_space<vmem_shared>>, %arg8: memref<10240xf32, #tpu.memory_space<vmem_shared>>, %arg9: memref<10000xi32, #tpu.memory_space<vmem>>, %arg10: memref<125x80xi32, #tpu.memory_space<vmem>>, %arg11: memref<80x128xf32, #tpu.memory_space<vmem>>, %arg12: memref<80x128xf32, #tpu.memory_space<vmem>>, %arg13: memref<80xf32, #tpu.memory_space<vmem>>, %arg14: memref<80xf32, #tpu.memory_space<vmem>>, %arg15: memref<!tpu.dma_semaphore, #tpu.memory_space<semaphore_mem>>, %arg16: memref<!tpu.dma_semaphore, #tpu.memory_space<semaphore_mem>>, %arg17: memref<!tpu.dma_semaphore, #tpu.memory_space<semaphore_mem>>, %arg18: memref<!tpu.dma_semaphore, #tpu.memory_space<semaphore_mem>>, %arg19: memref<!tpu.dma_semaphore, #tpu.memory_space<semaphore_mem>>, %arg20: memref<!tpu.dma_semaphore, #tpu.memory_space<semaphore_mem>>) attributes {dimension_semantics = [#tpu.dimension_semantics<core_parallel>, #tpu.dimension_semantics<subcore_parallel>], iteration_bounds = array<i64: 2, 16>, scalar_prefetch = 0 : i64, scratch_operands = 14 : i64, tpu.core_type = #tpu.core_type<sc_vector_subcore>, window_params = [{transform_indices = #map}, {transform_indices = #map}, {transform_indices = #map1}, {transform_indices = #map1}, {transform_indices = #map}]} {
    %mul3A = arith.constant 16 : i32
    %mul3A_0 = arith.muli %arg0, %mul3A : i32
    %add3A = arith.addi %mul3A_0, %arg1 : i32
    %scan3A = arith.constant 0 : i32
    %scan3A_1 = arith.constant 5 : i32
    %scan3A_2 = arith.addi %scan3A, %scan3A_1 : i32
    %scan3A_3 = arith.constant 1 : i32
    scf.for %scan3A_188 = %scan3A to %scan3A_2 step %scan3A_3  : i32 {
      %mul3A_189 = arith.constant 1 : i32
      %mul3A_190 = arith.muli %scan3A_188, %mul3A_189 : i32
      %add3A_191 = arith.constant 0 : i32
      %add3A_192 = arith.addi %add3A_191, %mul3A_190 : i32
      %broadcast_in_dim3A = arith.constant 1.000000e+00 : f32
      %broadcast_in_dim3A_193 = vector.broadcast %broadcast_in_dim3A : f32 to vector<16xf32>
      %mul3A_194 = arith.constant 16 : i32
      %mul3A_195 = arith.muli %add3A_192, %mul3A_194 : i32
      %swap3A = arith.index_cast %mul3A_195 : i32 to index
      %swap3A_196 = tpu.vector_load %arg13[%swap3A] {strides = array<i32>} : memref<80xf32, #tpu.memory_space<vmem>>, vector<16xf32>,
      %swap3A_197 = vector.shape_cast %swap3A_196 : vector<16xf32> to vector<16xf32>
      %swap3A_198 = vector.shape_cast %broadcast_in_dim3A_193 : vector<16xf32> to vector<16xf32>
      tpu.vector_store %arg13[%swap3A], %swap3A_198 {strides = array<i32>} : memref<80xf32, #tpu.memory_space<vmem>>, vector<16xf32>,
      %broadcast_in_dim3A_199 = arith.constant 0.000000e+00 : f32
      %broadcast_in_dim3A_200 = vector.broadcast %broadcast_in_dim3A_199 : f32 to vector<16xf32>
      %mul3A_201 = arith.constant 16 : i32
      %mul3A_202 = arith.muli %add3A_192, %mul3A_201 : i32
      %swap3A_203 = arith.index_cast %mul3A_202 : i32 to index
      %swap3A_204 = tpu.vector_load %arg14[%swap3A_203] {strides = array<i32>} : memref<80xf32, #tpu.memory_space<vmem>>, vector<16xf32>,
      %swap3A_205 = vector.shape_cast %swap3A_204 : vector<16xf32> to vector<16xf32>
      %swap3A_206 = vector.shape_cast %broadcast_in_dim3A_200 : vector<16xf32> to vector<16xf32>
      tpu.vector_store %arg14[%swap3A_203], %swap3A_206 {strides = array<i32>} : memref<80xf32, #tpu.memory_space<vmem>>, vector<16xf32>,
    }
    %scan3A_4 = arith.constant 5 : i32
    %scan3A_5 = arith.constant 0 : i32
    %scan3A_6 = arith.constant 80 : i32
    %scan3A_7 = arith.addi %scan3A_5, %scan3A_6 : i32
    %scan3A_8 = arith.constant 1 : i32
    scf.for %scan3A_188 = %scan3A_5 to %scan3A_7 step %scan3A_8  : i32 {
      %mul3A_189 = arith.constant 1 : i32
      %mul3A_190 = arith.muli %scan3A_188, %mul3A_189 : i32
      %add3A_191 = arith.constant 0 : i32
      %add3A_192 = arith.addi %add3A_191, %mul3A_190 : i32
      %broadcast_in_dim3A = arith.constant 0.000000e+00 : f32
      %broadcast_in_dim3A_193 = vector.broadcast %broadcast_in_dim3A : f32 to vector<16xf32>
      %swap3A = arith.index_cast %add3A_192 : i32 to index
      %swap3A_194 = arith.constant 0 : index
      %swap3A_195 = tpu.vector_load %arg11[%swap3A, %swap3A_194] {strides = array<i32>} : memref<80x128xf32, #tpu.memory_space<vmem>>, vector<1x16xf32>,
      %swap3A_196 = vector.shape_cast %swap3A_195 : vector<1x16xf32> to vector<16xf32>
      %swap3A_197 = vector.shape_cast %broadcast_in_dim3A_193 : vector<16xf32> to vector<1x16xf32>
      tpu.vector_store %arg11[%swap3A, %swap3A_194], %swap3A_197 {strides = array<i32>} : memref<80x128xf32, #tpu.memory_space<vmem>>, vector<1x16xf32>,
      %broadcast_in_dim3A_198 = arith.constant 0.000000e+00 : f32
      %broadcast_in_dim3A_199 = vector.broadcast %broadcast_in_dim3A_198 : f32 to vector<16xf32>
      %swap3A_200 = arith.index_cast %add3A_192 : i32 to index
      %swap3A_201 = arith.constant 16 : index
      %swap3A_202 = tpu.vector_load %arg11[%swap3A_200, %swap3A_201] {strides = array<i32>} : memref<80x128xf32, #tpu.memory_space<vmem>>, vector<1x16xf32>,
      %swap3A_203 = vector.shape_cast %swap3A_202 : vector<1x16xf32> to vector<16xf32>
      %swap3A_204 = vector.shape_cast %broadcast_in_dim3A_199 : vector<16xf32> to vector<1x16xf32>
      tpu.vector_store %arg11[%swap3A_200, %swap3A_201], %swap3A_204 {strides = array<i32>} : memref<80x128xf32, #tpu.memory_space<vmem>>, vector<1x16xf32>,
      %broadcast_in_dim3A_205 = arith.constant 0.000000e+00 : f32
      %broadcast_in_dim3A_206 = vector.broadcast %broadcast_in_dim3A_205 : f32 to vector<16xf32>
      %swap3A_207 = arith.index_cast %add3A_192 : i32 to index
      %swap3A_208 = arith.constant 32 : index
      %swap3A_209 = tpu.vector_load %arg11[%swap3A_207, %swap3A_208] {strides = array<i32>} : memref<80x128xf32, #tpu.memory_space<vmem>>, vector<1x16xf32>,
      %swap3A_210 = vector.shape_cast %swap3A_209 : vector<1x16xf32> to vector<16xf32>
      %swap3A_211 = vector.shape_cast %broadcast_in_dim3A_206 : vector<16xf32> to vector<1x16xf32>
      tpu.vector_store %arg11[%swap3A_207, %swap3A_208], %swap3A_211 {strides = array<i32>} : memref<80x128xf32, #tpu.memory_space<vmem>>, vector<1x16xf32>,
      %broadcast_in_dim3A_212 = arith.constant 0.000000e+00 : f32
      %broadcast_in_dim3A_213 = vector.broadcast %broadcast_in_dim3A_212 : f32 to vector<16xf32>
      %swap3A_214 = arith.index_cast %add3A_192 : i32 to index
      %swap3A_215 = arith.constant 48 : index
      %swap3A_216 = tpu.vector_load %arg11[%swap3A_214, %swap3A_215] {strides = array<i32>} : memref<80x128xf32, #tpu.memory_space<vmem>>, vector<1x16xf32>,
      %swap3A_217 = vector.shape_cast %swap3A_216 : vector<1x16xf32> to vector<16xf32>
      %swap3A_218 = vector.shape_cast %broadcast_in_dim3A_213 : vector<16xf32> to vector<1x16xf32>
      tpu.vector_store %arg11[%swap3A_214, %swap3A_215], %swap3A_218 {strides = array<i32>} : memref<80x128xf32, #tpu.memory_space<vmem>>, vector<1x16xf32>,
      %broadcast_in_dim3A_219 = arith.constant 0.000000e+00 : f32
      %broadcast_in_dim3A_220 = vector.broadcast %broadcast_in_dim3A_219 : f32 to vector<16xf32>
      %swap3A_221 = arith.index_cast %add3A_192 : i32 to index
      %swap3A_222 = arith.constant 64 : index
      %swap3A_223 = tpu.vector_load %arg11[%swap3A_221, %swap3A_222] {strides = array<i32>} : memref<80x128xf32, #tpu.memory_space<vmem>>, vector<1x16xf32>,
      %swap3A_224 = vector.shape_cast %swap3A_223 : vector<1x16xf32> to vector<16xf32>
      %swap3A_225 = vector.shape_cast %broadcast_in_dim3A_220 : vector<16xf32> to vector<1x16xf32>
      tpu.vector_store %arg11[%swap3A_221, %swap3A_222], %swap3A_225 {strides = array<i32>} : memref<80x128xf32, #tpu.memory_space<vmem>>, vector<1x16xf32>,
      %broadcast_in_dim3A_226 = arith.constant 0.000000e+00 : f32
      %broadcast_in_dim3A_227 = vector.broadcast %broadcast_in_dim3A_226 : f32 to vector<16xf32>
      %swap3A_228 = arith.index_cast %add3A_192 : i32 to index
      %swap3A_229 = arith.constant 80 : index
      %swap3A_230 = tpu.vector_load %arg11[%swap3A_228, %swap3A_229] {strides = array<i32>} : memref<80x128xf32, #tpu.memory_space<vmem>>, vector<1x16xf32>,
      %swap3A_231 = vector.shape_cast %swap3A_230 : vector<1x16xf32> to vector<16xf32>
      %swap3A_232 = vector.shape_cast %broadcast_in_dim3A_227 : vector<16xf32> to vector<1x16xf32>
      tpu.vector_store %arg11[%swap3A_228, %swap3A_229], %swap3A_232 {strides = array<i32>} : memref<80x128xf32, #tpu.memory_space<vmem>>, vector<1x16xf32>,
      %broadcast_in_dim3A_233 = arith.constant 0.000000e+00 : f32
      %broadcast_in_dim3A_234 = vector.broadcast %broadcast_in_dim3A_233 : f32 to vector<16xf32>
      %swap3A_235 = arith.index_cast %add3A_192 : i32 to index
      %swap3A_236 = arith.constant 96 : index
      %swap3A_237 = tpu.vector_load %arg11[%swap3A_235, %swap3A_236] {strides = array<i32>} : memref<80x128xf32, #tpu.memory_space<vmem>>, vector<1x16xf32>,
      %swap3A_238 = vector.shape_cast %swap3A_237 : vector<1x16xf32> to vector<16xf32>
      %swap3A_239 = vector.shape_cast %broadcast_in_dim3A_234 : vector<16xf32> to vector<1x16xf32>
      tpu.vector_store %arg11[%swap3A_235, %swap3A_236], %swap3A_239 {strides = array<i32>} : memref<80x128xf32, #tpu.memory_space<vmem>>, vector<1x16xf32>,
      %broadcast_in_dim3A_240 = arith.constant 0.000000e+00 : f32
      %broadcast_in_dim3A_241 = vector.broadcast %broadcast_in_dim3A_240 : f32 to vector<16xf32>
      %swap3A_242 = arith.index_cast %add3A_192 : i32 to index
      %swap3A_243 = arith.constant 112 : index
      %swap3A_244 = tpu.vector_load %arg11[%swap3A_242, %swap3A_243] {strides = array<i32>} : memref<80x128xf32, #tpu.memory_space<vmem>>, vector<1x16xf32>,
      %swap3A_245 = vector.shape_cast %swap3A_244 : vector<1x16xf32> to vector<16xf32>
      %swap3A_246 = vector.shape_cast %broadcast_in_dim3A_241 : vector<16xf32> to vector<1x16xf32>
      tpu.vector_store %arg11[%swap3A_242, %swap3A_243], %swap3A_246 {strides = array<i32>} : memref<80x128xf32, #tpu.memory_space<vmem>>, vector<1x16xf32>,
    }
    %scan3A_9 = arith.constant 80 : i32
    %mul3A_10 = arith.constant 640 : i32
    %mul3A_11 = arith.muli %arg1, %mul3A_10 : i32
    %add3A_12 = arith.constant 0 : i32
    %add3A_13 = arith.addi %mul3A_11, %add3A_12 : i32
    "tpu.region"() ({
      %run_scoped3A_188 = tpu.sem_alloc : memref<!tpu.dma_semaphore, #tpu.memory_space<semaphore_mem>>
      %dma_start3A_189 = arith.constant 0 : i32
      %dma_start3A_190 = tpu.memref_slice %arg7[%add3A_13, %dma_start3A_189] : memref<10240x128xf32, #tpu.memory_space<vmem_shared>> -> memref<80x128xf32, #tpu.memory_space<vmem_shared>>
      %dma_start3A_191 = arith.constant 0 : i32
      %dma_start3A_192 = tpu.memref_slice %arg7[%add3A_13, %dma_start3A_191] : memref<10240x128xf32, #tpu.memory_space<vmem_shared>> -> memref<80x128xf32, #tpu.memory_space<vmem_shared>>
      tpu.enqueue_dma source(%arg11 : memref<80x128xf32, #tpu.memory_space<vmem>>) target(%dma_start3A_192 : memref<80x128xf32, #tpu.memory_space<vmem_shared>>) target_semaphore(%run_scoped3A_188 : memref<!tpu.dma_semaphore, #tpu.memory_space<semaphore_mem>>)
      %dma_wait3A_193 = arith.constant 0 : i32
      %dma_wait3A_194 = tpu.memref_slice %arg7[%add3A_13, %dma_wait3A_193] : memref<10240x128xf32, #tpu.memory_space<vmem_shared>> -> memref<80x128xf32, #tpu.memory_space<vmem_shared>>
      %dma_wait3A_195 = arith.constant 0 : i32
      %dma_wait3A_196 = tpu.memref_slice %arg7[%add3A_13, %dma_wait3A_195] : memref<10240x128xf32, #tpu.memory_space<vmem_shared>> -> memref<80x128xf32, #tpu.memory_space<vmem_shared>>
      tpu.wait_dma2 semaphore(%run_scoped3A_188 : memref<!tpu.dma_semaphore, #tpu.memory_space<semaphore_mem>>) src(%arg11 : memref<80x128xf32, #tpu.memory_space<vmem>>) dst(%dma_wait3A_196 : memref<80x128xf32, #tpu.memory_space<vmem_shared>>)
      tpu.yield
    }) : () -> ()
    %add3A_14 = arith.constant 0 : i32
    %add3A_15 = arith.addi %mul3A_11, %add3A_14 : i32
    "tpu.region"() ({
      %run_scoped3A_188 = tpu.sem_alloc : memref<!tpu.dma_semaphore, #tpu.memory_space<semaphore_mem>>
      %dma_start3A_189 = tpu.memref_slice %arg8[%add3A_15] : memref<10240xf32, #tpu.memory_space<vmem_shared>> -> memref<80xf32, #tpu.memory_space<vmem_shared>>
      %dma_start3A_190 = tpu.memref_slice %arg8[%add3A_15] : memref<10240xf32, #tpu.memory_space<vmem_shared>> -> memref<80xf32, #tpu.memory_space<vmem_shared>>
      tpu.enqueue_dma source(%arg14 : memref<80xf32, #tpu.memory_space<vmem>>) target(%dma_start3A_190 : memref<80xf32, #tpu.memory_space<vmem_shared>>) target_semaphore(%run_scoped3A_188 : memref<!tpu.dma_semaphore, #tpu.memory_space<semaphore_mem>>)
      %dma_wait3A_191 = tpu.memref_slice %arg8[%add3A_15] : memref<10240xf32, #tpu.memory_space<vmem_shared>> -> memref<80xf32, #tpu.memory_space<vmem_shared>>
      %dma_wait3A_192 = tpu.memref_slice %arg8[%add3A_15] : memref<10240xf32, #tpu.memory_space<vmem_shared>> -> memref<80xf32, #tpu.memory_space<vmem_shared>>
      tpu.wait_dma2 semaphore(%run_scoped3A_188 : memref<!tpu.dma_semaphore, #tpu.memory_space<semaphore_mem>>) src(%arg14 : memref<80xf32, #tpu.memory_space<vmem>>) dst(%dma_wait3A_192 : memref<80xf32, #tpu.memory_space<vmem_shared>>)
      tpu.yield
    }) : () -> ()
    %add3A_16 = arith.constant 80 : i32
    %add3A_17 = arith.addi %mul3A_11, %add3A_16 : i32
    "tpu.region"() ({
      %run_scoped3A_188 = tpu.sem_alloc : memref<!tpu.dma_semaphore, #tpu.memory_space<semaphore_mem>>
      %dma_start3A_189 = arith.constant 0 : i32
      %dma_start3A_190 = tpu.memref_slice %arg7[%add3A_17, %dma_start3A_189] : memref<10240x128xf32, #tpu.memory_space<vmem_shared>> -> memref<80x128xf32, #tpu.memory_space<vmem_shared>>
      %dma_start3A_191 = arith.constant 0 : i32
      %dma_start3A_192 = tpu.memref_slice %arg7[%add3A_17, %dma_start3A_191] : memref<10240x128xf32, #tpu.memory_space<vmem_shared>> -> memref<80x128xf32, #tpu.memory_space<vmem_shared>>
      tpu.enqueue_dma source(%arg11 : memref<80x128xf32, #tpu.memory_space<vmem>>) target(%dma_start3A_192 : memref<80x128xf32, #tpu.memory_space<vmem_shared>>) target_semaphore(%run_scoped3A_188 : memref<!tpu.dma_semaphore, #tpu.memory_space<semaphore_mem>>)
      %dma_wait3A_193 = arith.constant 0 : i32
      %dma_wait3A_194 = tpu.memref_slice %arg7[%add3A_17, %dma_wait3A_193] : memref<10240x128xf32, #tpu.memory_space<vmem_shared>> -> memref<80x128xf32, #tpu.memory_space<vmem_shared>>
      %dma_wait3A_195 = arith.constant 0 : i32
      %dma_wait3A_196 = tpu.memref_slice %arg7[%add3A_17, %dma_wait3A_195] : memref<10240x128xf32, #tpu.memory_space<vmem_shared>> -> memref<80x128xf32, #tpu.memory_space<vmem_shared>>
      tpu.wait_dma2 semaphore(%run_scoped3A_188 : memref<!tpu.dma_semaphore, #tpu.memory_space<semaphore_mem>>) src(%arg11 : memref<80x128xf32, #tpu.memory_space<vmem>>) dst(%dma_wait3A_196 : memref<80x128xf32, #tpu.memory_space<vmem_shared>>)
      tpu.yield
    }) : () -> ()
    %add3A_18 = arith.constant 80 : i32
    %add3A_19 = arith.addi %mul3A_11, %add3A_18 : i32
    "tpu.region"() ({
      %run_scoped3A_188 = tpu.sem_alloc : memref<!tpu.dma_semaphore, #tpu.memory_space<semaphore_mem>>
      %dma_start3A_189 = tpu.memref_slice %arg8[%add3A_19] : memref<10240xf32, #tpu.memory_space<vmem_shared>> -> memref<80xf32, #tpu.memory_space<vmem_shared>>
      %dma_start3A_190 = tpu.memref_slice %arg8[%add3A_19] : memref<10240xf32, #tpu.memory_space<vmem_shared>> -> memref<80xf32, #tpu.memory_space<vmem_shared>>
      tpu.enqueue_dma source(%arg14 : memref<80xf32, #tpu.memory_space<vmem>>) target(%dma_start3A_190 : memref<80xf32, #tpu.memory_space<vmem_shared>>) target_semaphore(%run_scoped3A_188 : memref<!tpu.dma_semaphore, #tpu.memory_space<semaphore_mem>>)
      %dma_wait3A_191 = tpu.memref_slice %arg8[%add3A_19] : memref<10240xf32, #tpu.memory_space<vmem_shared>> -> memref<80xf32, #tpu.memory_space<vmem_shared>>
      %dma_wait3A_192 = tpu.memref_slice %arg8[%add3A_19] : memref<10240xf32, #tpu.memory_space<vmem_shared>> -> memref<80xf32, #tpu.memory_space<vmem_shared>>
      tpu.wait_dma2 semaphore(%run_scoped3A_188 : memref<!tpu.dma_semaphore, #tpu.memory_space<semaphore_mem>>) src(%arg14 : memref<80xf32, #tpu.memory_space<vmem>>) dst(%dma_wait3A_192 : memref<80xf32, #tpu.memory_space<vmem_shared>>)
      tpu.yield
    }) : () -> ()
    %add3A_20 = arith.constant 160 : i32
    %add3A_21 = arith.addi %mul3A_11, %add3A_20 : i32
    "tpu.region"() ({
      %run_scoped3A_188 = tpu.sem_alloc : memref<!tpu.dma_semaphore, #tpu.memory_space<semaphore_mem>>
      %dma_start3A_189 = arith.constant 0 : i32
      %dma_start3A_190 = tpu.memref_slice %arg7[%add3A_21, %dma_start3A_189] : memref<10240x128xf32, #tpu.memory_space<vmem_shared>> -> memref<80x128xf32, #tpu.memory_space<vmem_shared>>
      %dma_start3A_191 = arith.constant 0 : i32
      %dma_start3A_192 = tpu.memref_slice %arg7[%add3A_21, %dma_start3A_191] : memref<10240x128xf32, #tpu.memory_space<vmem_shared>> -> memref<80x128xf32, #tpu.memory_space<vmem_shared>>
      tpu.enqueue_dma source(%arg11 : memref<80x128xf32, #tpu.memory_space<vmem>>) target(%dma_start3A_192 : memref<80x128xf32, #tpu.memory_space<vmem_shared>>) target_semaphore(%run_scoped3A_188 : memref<!tpu.dma_semaphore, #tpu.memory_space<semaphore_mem>>)
      %dma_wait3A_193 = arith.constant 0 : i32
      %dma_wait3A_194 = tpu.memref_slice %arg7[%add3A_21, %dma_wait3A_193] : memref<10240x128xf32, #tpu.memory_space<vmem_shared>> -> memref<80x128xf32, #tpu.memory_space<vmem_shared>>
      %dma_wait3A_195 = arith.constant 0 : i32
      %dma_wait3A_196 = tpu.memref_slice %arg7[%add3A_21, %dma_wait3A_195] : memref<10240x128xf32, #tpu.memory_space<vmem_shared>> -> memref<80x128xf32, #tpu.memory_space<vmem_shared>>
      tpu.wait_dma2 semaphore(%run_scoped3A_188 : memref<!tpu.dma_semaphore, #tpu.memory_space<semaphore_mem>>) src(%arg11 : memref<80x128xf32, #tpu.memory_space<vmem>>) dst(%dma_wait3A_196 : memref<80x128xf32, #tpu.memory_space<vmem_shared>>)
      tpu.yield
    }) : () -> ()
    %add3A_22 = arith.constant 160 : i32
    %add3A_23 = arith.addi %mul3A_11, %add3A_22 : i32
    "tpu.region"() ({
      %run_scoped3A_188 = tpu.sem_alloc : memref<!tpu.dma_semaphore, #tpu.memory_space<semaphore_mem>>
      %dma_start3A_189 = tpu.memref_slice %arg8[%add3A_23] : memref<10240xf32, #tpu.memory_space<vmem_shared>> -> memref<80xf32, #tpu.memory_space<vmem_shared>>
      %dma_start3A_190 = tpu.memref_slice %arg8[%add3A_23] : memref<10240xf32, #tpu.memory_space<vmem_shared>> -> memref<80xf32, #tpu.memory_space<vmem_shared>>
      tpu.enqueue_dma source(%arg14 : memref<80xf32, #tpu.memory_space<vmem>>) target(%dma_start3A_190 : memref<80xf32, #tpu.memory_space<vmem_shared>>) target_semaphore(%run_scoped3A_188 : memref<!tpu.dma_semaphore, #tpu.memory_space<semaphore_mem>>)
      %dma_wait3A_191 = tpu.memref_slice %arg8[%add3A_23] : memref<10240xf32, #tpu.memory_space<vmem_shared>> -> memref<80xf32, #tpu.memory_space<vmem_shared>>
      %dma_wait3A_192 = tpu.memref_slice %arg8[%add3A_23] : memref<10240xf32, #tpu.memory_space<vmem_shared>> -> memref<80xf32, #tpu.memory_space<vmem_shared>>
      tpu.wait_dma2 semaphore(%run_scoped3A_188 : memref<!tpu.dma_semaphore, #tpu.memory_space<semaphore_mem>>) src(%arg14 : memref<80xf32, #tpu.memory_space<vmem>>) dst(%dma_wait3A_192 : memref<80xf32, #tpu.memory_space<vmem_shared>>)
      tpu.yield
    }) : () -> ()
    %add3A_24 = arith.constant 240 : i32
    %add3A_25 = arith.addi %mul3A_11, %add3A_24 : i32
    "tpu.region"() ({
      %run_scoped3A_188 = tpu.sem_alloc : memref<!tpu.dma_semaphore, #tpu.memory_space<semaphore_mem>>
      %dma_start3A_189 = arith.constant 0 : i32
      %dma_start3A_190 = tpu.memref_slice %arg7[%add3A_25, %dma_start3A_189] : memref<10240x128xf32, #tpu.memory_space<vmem_shared>> -> memref<80x128xf32, #tpu.memory_space<vmem_shared>>
      %dma_start3A_191 = arith.constant 0 : i32
      %dma_start3A_192 = tpu.memref_slice %arg7[%add3A_25, %dma_start3A_191] : memref<10240x128xf32, #tpu.memory_space<vmem_shared>> -> memref<80x128xf32, #tpu.memory_space<vmem_shared>>
      tpu.enqueue_dma source(%arg11 : memref<80x128xf32, #tpu.memory_space<vmem>>) target(%dma_start3A_192 : memref<80x128xf32, #tpu.memory_space<vmem_shared>>) target_semaphore(%run_scoped3A_188 : memref<!tpu.dma_semaphore, #tpu.memory_space<semaphore_mem>>)
      %dma_wait3A_193 = arith.constant 0 : i32
      %dma_wait3A_194 = tpu.memref_slice %arg7[%add3A_25, %dma_wait3A_193] : memref<10240x128xf32, #tpu.memory_space<vmem_shared>> -> memref<80x128xf32, #tpu.memory_space<vmem_shared>>
      %dma_wait3A_195 = arith.constant 0 : i32
      %dma_wait3A_196 = tpu.memref_slice %arg7[%add3A_25, %dma_wait3A_195] : memref<10240x128xf32, #tpu.memory_space<vmem_shared>> -> memref<80x128xf32, #tpu.memory_space<vmem_shared>>
      tpu.wait_dma2 semaphore(%run_scoped3A_188 : memref<!tpu.dma_semaphore, #tpu.memory_space<semaphore_mem>>) src(%arg11 : memref<80x128xf32, #tpu.memory_space<vmem>>) dst(%dma_wait3A_196 : memref<80x128xf32, #tpu.memory_space<vmem_shared>>)
      tpu.yield
    }) : () -> ()
    %add3A_26 = arith.constant 240 : i32
    %add3A_27 = arith.addi %mul3A_11, %add3A_26 : i32
    "tpu.region"() ({
      %run_scoped3A_188 = tpu.sem_alloc : memref<!tpu.dma_semaphore, #tpu.memory_space<semaphore_mem>>
      %dma_start3A_189 = tpu.memref_slice %arg8[%add3A_27] : memref<10240xf32, #tpu.memory_space<vmem_shared>> -> memref<80xf32, #tpu.memory_space<vmem_shared>>
      %dma_start3A_190 = tpu.memref_slice %arg8[%add3A_27] : memref<10240xf32, #tpu.memory_space<vmem_shared>> -> memref<80xf32, #tpu.memory_space<vmem_shared>>
      tpu.enqueue_dma source(%arg14 : memref<80xf32, #tpu.memory_space<vmem>>) target(%dma_start3A_190 : memref<80xf32, #tpu.memory_space<vmem_shared>>) target_semaphore(%run_scoped3A_188 : memref<!tpu.dma_semaphore, #tpu.memory_space<semaphore_mem>>)
      %dma_wait3A_191 = tpu.memref_slice %arg8[%add3A_27] : memref<10240xf32, #tpu.memory_space<vmem_shared>> -> memref<80xf32, #tpu.memory_space<vmem_shared>>
      %dma_wait3A_192 = tpu.memref_slice %arg8[%add3A_27] : memref<10240xf32, #tpu.memory_space<vmem_shared>> -> memref<80xf32, #tpu.memory_space<vmem_shared>>
      tpu.wait_dma2 semaphore(%run_scoped3A_188 : memref<!tpu.dma_semaphore, #tpu.memory_space<semaphore_mem>>) src(%arg14 : memref<80xf32, #tpu.memory_space<vmem>>) dst(%dma_wait3A_192 : memref<80xf32, #tpu.memory_space<vmem_shared>>)
      tpu.yield
    }) : () -> ()
    %add3A_28 = arith.constant 320 : i32
    %add3A_29 = arith.addi %mul3A_11, %add3A_28 : i32
    "tpu.region"() ({
      %run_scoped3A_188 = tpu.sem_alloc : memref<!tpu.dma_semaphore, #tpu.memory_space<semaphore_mem>>
      %dma_start3A_189 = arith.constant 0 : i32
      %dma_start3A_190 = tpu.memref_slice %arg7[%add3A_29, %dma_start3A_189] : memref<10240x128xf32, #tpu.memory_space<vmem_shared>> -> memref<80x128xf32, #tpu.memory_space<vmem_shared>>
      %dma_start3A_191 = arith.constant 0 : i32
      %dma_start3A_192 = tpu.memref_slice %arg7[%add3A_29, %dma_start3A_191] : memref<10240x128xf32, #tpu.memory_space<vmem_shared>> -> memref<80x128xf32, #tpu.memory_space<vmem_shared>>
      tpu.enqueue_dma source(%arg11 : memref<80x128xf32, #tpu.memory_space<vmem>>) target(%dma_start3A_192 : memref<80x128xf32, #tpu.memory_space<vmem_shared>>) target_semaphore(%run_scoped3A_188 : memref<!tpu.dma_semaphore, #tpu.memory_space<semaphore_mem>>)
      %dma_wait3A_193 = arith.constant 0 : i32
      %dma_wait3A_194 = tpu.memref_slice %arg7[%add3A_29, %dma_wait3A_193] : memref<10240x128xf32, #tpu.memory_space<vmem_shared>> -> memref<80x128xf32, #tpu.memory_space<vmem_shared>>
      %dma_wait3A_195 = arith.constant 0 : i32
      %dma_wait3A_196 = tpu.memref_slice %arg7[%add3A_29, %dma_wait3A_195] : memref<10240x128xf32, #tpu.memory_space<vmem_shared>> -> memref<80x128xf32, #tpu.memory_space<vmem_shared>>
      tpu.wait_dma2 semaphore(%run_scoped3A_188 : memref<!tpu.dma_semaphore, #tpu.memory_space<semaphore_mem>>) src(%arg11 : memref<80x128xf32, #tpu.memory_space<vmem>>) dst(%dma_wait3A_196 : memref<80x128xf32, #tpu.memory_space<vmem_shared>>)
      tpu.yield
    }) : () -> ()
    %add3A_30 = arith.constant 320 : i32
    %add3A_31 = arith.addi %mul3A_11, %add3A_30 : i32
    "tpu.region"() ({
      %run_scoped3A_188 = tpu.sem_alloc : memref<!tpu.dma_semaphore, #tpu.memory_space<semaphore_mem>>
      %dma_start3A_189 = tpu.memref_slice %arg8[%add3A_31] : memref<10240xf32, #tpu.memory_space<vmem_shared>> -> memref<80xf32, #tpu.memory_space<vmem_shared>>
      %dma_start3A_190 = tpu.memref_slice %arg8[%add3A_31] : memref<10240xf32, #tpu.memory_space<vmem_shared>> -> memref<80xf32, #tpu.memory_space<vmem_shared>>
      tpu.enqueue_dma source(%arg14 : memref<80xf32, #tpu.memory_space<vmem>>) target(%dma_start3A_190 : memref<80xf32, #tpu.memory_space<vmem_shared>>) target_semaphore(%run_scoped3A_188 : memref<!tpu.dma_semaphore, #tpu.memory_space<semaphore_mem>>)
      %dma_wait3A_191 = tpu.memref_slice %arg8[%add3A_31] : memref<10240xf32, #tpu.memory_space<vmem_shared>> -> memref<80xf32, #tpu.memory_space<vmem_shared>>
      %dma_wait3A_192 = tpu.memref_slice %arg8[%add3A_31] : memref<10240xf32, #tpu.memory_space<vmem_shared>> -> memref<80xf32, #tpu.memory_space<vmem_shared>>
      tpu.wait_dma2 semaphore(%run_scoped3A_188 : memref<!tpu.dma_semaphore, #tpu.memory_space<semaphore_mem>>) src(%arg14 : memref<80xf32, #tpu.memory_space<vmem>>) dst(%dma_wait3A_192 : memref<80xf32, #tpu.memory_space<vmem_shared>>)
      tpu.yield
    }) : () -> ()
    %add3A_32 = arith.constant 400 : i32
    %add3A_33 = arith.addi %mul3A_11, %add3A_32 : i32
    "tpu.region"() ({
      %run_scoped3A_188 = tpu.sem_alloc : memref<!tpu.dma_semaphore, #tpu.memory_space<semaphore_mem>>
      %dma_start3A_189 = arith.constant 0 : i32
      %dma_start3A_190 = tpu.memref_slice %arg7[%add3A_33, %dma_start3A_189] : memref<10240x128xf32, #tpu.memory_space<vmem_shared>> -> memref<80x128xf32, #tpu.memory_space<vmem_shared>>
      %dma_start3A_191 = arith.constant 0 : i32
      %dma_start3A_192 = tpu.memref_slice %arg7[%add3A_33, %dma_start3A_191] : memref<10240x128xf32, #tpu.memory_space<vmem_shared>> -> memref<80x128xf32, #tpu.memory_space<vmem_shared>>
      tpu.enqueue_dma source(%arg11 : memref<80x128xf32, #tpu.memory_space<vmem>>) target(%dma_start3A_192 : memref<80x128xf32, #tpu.memory_space<vmem_shared>>) target_semaphore(%run_scoped3A_188 : memref<!tpu.dma_semaphore, #tpu.memory_space<semaphore_mem>>)
      %dma_wait3A_193 = arith.constant 0 : i32
      %dma_wait3A_194 = tpu.memref_slice %arg7[%add3A_33, %dma_wait3A_193] : memref<10240x128xf32, #tpu.memory_space<vmem_shared>> -> memref<80x128xf32, #tpu.memory_space<vmem_shared>>
      %dma_wait3A_195 = arith.constant 0 : i32
      %dma_wait3A_196 = tpu.memref_slice %arg7[%add3A_33, %dma_wait3A_195] : memref<10240x128xf32, #tpu.memory_space<vmem_shared>> -> memref<80x128xf32, #tpu.memory_space<vmem_shared>>
      tpu.wait_dma2 semaphore(%run_scoped3A_188 : memref<!tpu.dma_semaphore, #tpu.memory_space<semaphore_mem>>) src(%arg11 : memref<80x128xf32, #tpu.memory_space<vmem>>) dst(%dma_wait3A_196 : memref<80x128xf32, #tpu.memory_space<vmem_shared>>)
      tpu.yield
    }) : () -> ()
    %add3A_34 = arith.constant 400 : i32
    %add3A_35 = arith.addi %mul3A_11, %add3A_34 : i32
    "tpu.region"() ({
      %run_scoped3A_188 = tpu.sem_alloc : memref<!tpu.dma_semaphore, #tpu.memory_space<semaphore_mem>>
      %dma_start3A_189 = tpu.memref_slice %arg8[%add3A_35] : memref<10240xf32, #tpu.memory_space<vmem_shared>> -> memref<80xf32, #tpu.memory_space<vmem_shared>>
      %dma_start3A_190 = tpu.memref_slice %arg8[%add3A_35] : memref<10240xf32, #tpu.memory_space<vmem_shared>> -> memref<80xf32, #tpu.memory_space<vmem_shared>>
      tpu.enqueue_dma source(%arg14 : memref<80xf32, #tpu.memory_space<vmem>>) target(%dma_start3A_190 : memref<80xf32, #tpu.memory_space<vmem_shared>>) target_semaphore(%run_scoped3A_188 : memref<!tpu.dma_semaphore, #tpu.memory_space<semaphore_mem>>)
      %dma_wait3A_191 = tpu.memref_slice %arg8[%add3A_35] : memref<10240xf32, #tpu.memory_space<vmem_shared>> -> memref<80xf32, #tpu.memory_space<vmem_shared>>
      %dma_wait3A_192 = tpu.memref_slice %arg8[%add3A_35] : memref<10240xf32, #tpu.memory_space<vmem_shared>> -> memref<80xf32, #tpu.memory_space<vmem_shared>>
      tpu.wait_dma2 semaphore(%run_scoped3A_188 : memref<!tpu.dma_semaphore, #tpu.memory_space<semaphore_mem>>) src(%arg14 : memref<80xf32, #tpu.memory_space<vmem>>) dst(%dma_wait3A_192 : memref<80xf32, #tpu.memory_space<vmem_shared>>)
      tpu.yield
    }) : () -> ()
    %add3A_36 = arith.constant 480 : i32
    %add3A_37 = arith.addi %mul3A_11, %add3A_36 : i32
    "tpu.region"() ({
      %run_scoped3A_188 = tpu.sem_alloc : memref<!tpu.dma_semaphore, #tpu.memory_space<semaphore_mem>>
      %dma_start3A_189 = arith.constant 0 : i32
      %dma_start3A_190 = tpu.memref_slice %arg7[%add3A_37, %dma_start3A_189] : memref<10240x128xf32, #tpu.memory_space<vmem_shared>> -> memref<80x128xf32, #tpu.memory_space<vmem_shared>>
      %dma_start3A_191 = arith.constant 0 : i32
      %dma_start3A_192 = tpu.memref_slice %arg7[%add3A_37, %dma_start3A_191] : memref<10240x128xf32, #tpu.memory_space<vmem_shared>> -> memref<80x128xf32, #tpu.memory_space<vmem_shared>>
      tpu.enqueue_dma source(%arg11 : memref<80x128xf32, #tpu.memory_space<vmem>>) target(%dma_start3A_192 : memref<80x128xf32, #tpu.memory_space<vmem_shared>>) target_semaphore(%run_scoped3A_188 : memref<!tpu.dma_semaphore, #tpu.memory_space<semaphore_mem>>)
      %dma_wait3A_193 = arith.constant 0 : i32
      %dma_wait3A_194 = tpu.memref_slice %arg7[%add3A_37, %dma_wait3A_193] : memref<10240x128xf32, #tpu.memory_space<vmem_shared>> -> memref<80x128xf32, #tpu.memory_space<vmem_shared>>
      %dma_wait3A_195 = arith.constant 0 : i32
      %dma_wait3A_196 = tpu.memref_slice %arg7[%add3A_37, %dma_wait3A_195] : memref<10240x128xf32, #tpu.memory_space<vmem_shared>> -> memref<80x128xf32, #tpu.memory_space<vmem_shared>>
      tpu.wait_dma2 semaphore(%run_scoped3A_188 : memref<!tpu.dma_semaphore, #tpu.memory_space<semaphore_mem>>) src(%arg11 : memref<80x128xf32, #tpu.memory_space<vmem>>) dst(%dma_wait3A_196 : memref<80x128xf32, #tpu.memory_space<vmem_shared>>)
      tpu.yield
    }) : () -> ()
    %add3A_38 = arith.constant 480 : i32
    %add3A_39 = arith.addi %mul3A_11, %add3A_38 : i32
    "tpu.region"() ({
      %run_scoped3A_188 = tpu.sem_alloc : memref<!tpu.dma_semaphore, #tpu.memory_space<semaphore_mem>>
      %dma_start3A_189 = tpu.memref_slice %arg8[%add3A_39] : memref<10240xf32, #tpu.memory_space<vmem_shared>> -> memref<80xf32, #tpu.memory_space<vmem_shared>>
      %dma_start3A_190 = tpu.memref_slice %arg8[%add3A_39] : memref<10240xf32, #tpu.memory_space<vmem_shared>> -> memref<80xf32, #tpu.memory_space<vmem_shared>>
      tpu.enqueue_dma source(%arg14 : memref<80xf32, #tpu.memory_space<vmem>>) target(%dma_start3A_190 : memref<80xf32, #tpu.memory_space<vmem_shared>>) target_semaphore(%run_scoped3A_188 : memref<!tpu.dma_semaphore, #tpu.memory_space<semaphore_mem>>)
      %dma_wait3A_191 = tpu.memref_slice %arg8[%add3A_39] : memref<10240xf32, #tpu.memory_space<vmem_shared>> -> memref<80xf32, #tpu.memory_space<vmem_shared>>
      %dma_wait3A_192 = tpu.memref_slice %arg8[%add3A_39] : memref<10240xf32, #tpu.memory_space<vmem_shared>> -> memref<80xf32, #tpu.memory_space<vmem_shared>>
      tpu.wait_dma2 semaphore(%run_scoped3A_188 : memref<!tpu.dma_semaphore, #tpu.memory_space<semaphore_mem>>) src(%arg14 : memref<80xf32, #tpu.memory_space<vmem>>) dst(%dma_wait3A_192 : memref<80xf32, #tpu.memory_space<vmem_shared>>)
      tpu.yield
    }) : () -> ()
    %add3A_40 = arith.constant 560 : i32
    %add3A_41 = arith.addi %mul3A_11, %add3A_40 : i32
    "tpu.region"() ({
      %run_scoped3A_188 = tpu.sem_alloc : memref<!tpu.dma_semaphore, #tpu.memory_space<semaphore_mem>>
      %dma_start3A_189 = arith.constant 0 : i32
      %dma_start3A_190 = tpu.memref_slice %arg7[%add3A_41, %dma_start3A_189] : memref<10240x128xf32, #tpu.memory_space<vmem_shared>> -> memref<80x128xf32, #tpu.memory_space<vmem_shared>>
      %dma_start3A_191 = arith.constant 0 : i32
      %dma_start3A_192 = tpu.memref_slice %arg7[%add3A_41, %dma_start3A_191] : memref<10240x128xf32, #tpu.memory_space<vmem_shared>> -> memref<80x128xf32, #tpu.memory_space<vmem_shared>>
      tpu.enqueue_dma source(%arg11 : memref<80x128xf32, #tpu.memory_space<vmem>>) target(%dma_start3A_192 : memref<80x128xf32, #tpu.memory_space<vmem_shared>>) target_semaphore(%run_scoped3A_188 : memref<!tpu.dma_semaphore, #tpu.memory_space<semaphore_mem>>)
      %dma_wait3A_193 = arith.constant 0 : i32
      %dma_wait3A_194 = tpu.memref_slice %arg7[%add3A_41, %dma_wait3A_193] : memref<10240x128xf32, #tpu.memory_space<vmem_shared>> -> memref<80x128xf32, #tpu.memory_space<vmem_shared>>
      %dma_wait3A_195 = arith.constant 0 : i32
      %dma_wait3A_196 = tpu.memref_slice %arg7[%add3A_41, %dma_wait3A_195] : memref<10240x128xf32, #tpu.memory_space<vmem_shared>> -> memref<80x128xf32, #tpu.memory_space<vmem_shared>>
      tpu.wait_dma2 semaphore(%run_scoped3A_188 : memref<!tpu.dma_semaphore, #tpu.memory_space<semaphore_mem>>) src(%arg11 : memref<80x128xf32, #tpu.memory_space<vmem>>) dst(%dma_wait3A_196 : memref<80x128xf32, #tpu.memory_space<vmem_shared>>)
      tpu.yield
    }) : () -> ()
    %add3A_42 = arith.constant 560 : i32
    %add3A_43 = arith.addi %mul3A_11, %add3A_42 : i32
    "tpu.region"() ({
      %run_scoped3A_188 = tpu.sem_alloc : memref<!tpu.dma_semaphore, #tpu.memory_space<semaphore_mem>>
      %dma_start3A_189 = tpu.memref_slice %arg8[%add3A_43] : memref<10240xf32, #tpu.memory_space<vmem_shared>> -> memref<80xf32, #tpu.memory_space<vmem_shared>>
      %dma_start3A_190 = tpu.memref_slice %arg8[%add3A_43] : memref<10240xf32, #tpu.memory_space<vmem_shared>> -> memref<80xf32, #tpu.memory_space<vmem_shared>>
      tpu.enqueue_dma source(%arg14 : memref<80xf32, #tpu.memory_space<vmem>>) target(%dma_start3A_190 : memref<80xf32, #tpu.memory_space<vmem_shared>>) target_semaphore(%run_scoped3A_188 : memref<!tpu.dma_semaphore, #tpu.memory_space<semaphore_mem>>)
      %dma_wait3A_191 = tpu.memref_slice %arg8[%add3A_43] : memref<10240xf32, #tpu.memory_space<vmem_shared>> -> memref<80xf32, #tpu.memory_space<vmem_shared>>
      %dma_wait3A_192 = tpu.memref_slice %arg8[%add3A_43] : memref<10240xf32, #tpu.memory_space<vmem_shared>> -> memref<80xf32, #tpu.memory_space<vmem_shared>>
      tpu.wait_dma2 semaphore(%run_scoped3A_188 : memref<!tpu.dma_semaphore, #tpu.memory_space<semaphore_mem>>) src(%arg14 : memref<80xf32, #tpu.memory_space<vmem>>) dst(%dma_wait3A_192 : memref<80xf32, #tpu.memory_space<vmem_shared>>)
      tpu.yield
    }) : () -> ()
    "tpu.region"() ({
      %run_scoped3A_188 = tpu.sem_alloc : memref<!tpu.dma_semaphore, #tpu.memory_space<semaphore_mem>>
      %dma_start3A_189 = arith.constant 0 : i32
      %dma_start3A_190 = tpu.memref_slice %arg3[%add3A, %dma_start3A_189] : memref<32x10000xi32, #tpu.memory_space<hbm>> -> memref<1x10000xi32, #tpu.memory_space<hbm>>
      %dma_start3A_191 = tpu.memref_squeeze %dma_start3A_190 : memref<1x10000xi32, #tpu.memory_space<hbm>> -> memref<10000xi32, #tpu.memory_space<hbm>>
      %dma_start3A_192 = arith.constant 0 : i32
      %dma_start3A_193 = tpu.memref_slice %arg3[%add3A, %dma_start3A_192] : memref<32x10000xi32, #tpu.memory_space<hbm>> -> memref<1x10000xi32, #tpu.memory_space<hbm>>
      %dma_start3A_194 = tpu.memref_squeeze %dma_start3A_193 : memref<1x10000xi32, #tpu.memory_space<hbm>> -> memref<10000xi32, #tpu.memory_space<hbm>>
      tpu.enqueue_dma source(%dma_start3A_194 : memref<10000xi32, #tpu.memory_space<hbm>>) target(%arg9 : memref<10000xi32, #tpu.memory_space<vmem>>) target_semaphore(%run_scoped3A_188 : memref<!tpu.dma_semaphore, #tpu.memory_space<semaphore_mem>>)
      %dma_wait3A_195 = arith.constant 0 : i32
      %dma_wait3A_196 = tpu.memref_slice %arg3[%add3A, %dma_wait3A_195] : memref<32x10000xi32, #tpu.memory_space<hbm>> -> memref<1x10000xi32, #tpu.memory_space<hbm>>
      %dma_wait3A_197 = tpu.memref_squeeze %dma_wait3A_196 : memref<1x10000xi32, #tpu.memory_space<hbm>> -> memref<10000xi32, #tpu.memory_space<hbm>>
      %dma_wait3A_198 = arith.constant 0 : i32
      %dma_wait3A_199 = tpu.memref_slice %arg3[%add3A, %dma_wait3A_198] : memref<32x10000xi32, #tpu.memory_space<hbm>> -> memref<1x10000xi32, #tpu.memory_space<hbm>>
      %dma_wait3A_200 = tpu.memref_squeeze %dma_wait3A_199 : memref<1x10000xi32, #tpu.memory_space<hbm>> -> memref<10000xi32, #tpu.memory_space<hbm>>
      tpu.wait_dma2 semaphore(%run_scoped3A_188 : memref<!tpu.dma_semaphore, #tpu.memory_space<semaphore_mem>>) src(%dma_wait3A_200 : memref<10000xi32, #tpu.memory_space<hbm>>) dst(%arg9 : memref<10000xi32, #tpu.memory_space<vmem>>)
      tpu.yield
    }) : () -> ()
    "tpu.region"() ({
      %run_scoped3A_188 = tpu.sem_alloc : memref<!tpu.dma_semaphore, #tpu.memory_space<semaphore_mem>>
      %dma_start3A_189 = arith.constant 0 : i32
      %dma_start3A_190 = arith.constant 0 : i32
      %dma_start3A_191 = tpu.memref_slice %arg4[%add3A, %dma_start3A_189, %dma_start3A_190] : memref<32x125x80xi32, #tpu.memory_space<hbm>> -> memref<1x125x80xi32, #tpu.memory_space<hbm>>
      %dma_start3A_192 = tpu.memref_squeeze %dma_start3A_191 : memref<1x125x80xi32, #tpu.memory_space<hbm>> -> memref<125x80xi32, #tpu.memory_space<hbm>>
      %dma_start3A_193 = arith.constant 0 : i32
      %dma_start3A_194 = arith.constant 0 : i32
      %dma_start3A_195 = tpu.memref_slice %arg4[%add3A, %dma_start3A_193, %dma_start3A_194] : memref<32x125x80xi32, #tpu.memory_space<hbm>> -> memref<1x125x80xi32, #tpu.memory_space<hbm>>
      %dma_start3A_196 = tpu.memref_squeeze %dma_start3A_195 : memref<1x125x80xi32, #tpu.memory_space<hbm>> -> memref<125x80xi32, #tpu.memory_space<hbm>>
      tpu.enqueue_dma source(%dma_start3A_196 : memref<125x80xi32, #tpu.memory_space<hbm>>) target(%arg10 : memref<125x80xi32, #tpu.memory_space<vmem>>) target_semaphore(%run_scoped3A_188 : memref<!tpu.dma_semaphore, #tpu.memory_space<semaphore_mem>>)
      %dma_wait3A_197 = arith.constant 0 : i32
      %dma_wait3A_198 = arith.constant 0 : i32
      %dma_wait3A_199 = tpu.memref_slice %arg4[%add3A, %dma_wait3A_197, %dma_wait3A_198] : memref<32x125x80xi32, #tpu.memory_space<hbm>> -> memref<1x125x80xi32, #tpu.memory_space<hbm>>
      %dma_wait3A_200 = tpu.memref_squeeze %dma_wait3A_199 : memref<1x125x80xi32, #tpu.memory_space<hbm>> -> memref<125x80xi32, #tpu.memory_space<hbm>>
      %dma_wait3A_201 = arith.constant 0 : i32
      %dma_wait3A_202 = arith.constant 0 : i32
      %dma_wait3A_203 = tpu.memref_slice %arg4[%add3A, %dma_wait3A_201, %dma_wait3A_202] : memref<32x125x80xi32, #tpu.memory_space<hbm>> -> memref<1x125x80xi32, #tpu.memory_space<hbm>>
      %dma_wait3A_204 = tpu.memref_squeeze %dma_wait3A_203 : memref<1x125x80xi32, #tpu.memory_space<hbm>> -> memref<125x80xi32, #tpu.memory_space<hbm>>
      tpu.wait_dma2 semaphore(%run_scoped3A_188 : memref<!tpu.dma_semaphore, #tpu.memory_space<semaphore_mem>>) src(%dma_wait3A_204 : memref<125x80xi32, #tpu.memory_space<hbm>>) dst(%arg10 : memref<125x80xi32, #tpu.memory_space<vmem>>)
      tpu.yield
    }) : () -> ()
    %barrier3A = arith.constant 0 : index
    tpu.barrier barrier_id(%barrier3A)
    %dma_start3A = arith.constant 0 : i32
    %dma_start3A_44 = arith.constant 0 : i32
    %dma_start3A_45 = tpu.memref_slice %arg11[%dma_start3A, %dma_start3A_44] : memref<80x128xf32, #tpu.memory_space<vmem>> -> memref<40x128xf32, #tpu.memory_space<vmem>>
    %dma_start3A_46 = arith.constant 0 : i32
    %dma_start3A_47 = tpu.memref_slice %arg9[%dma_start3A_46] : memref<10000xi32, #tpu.memory_space<vmem>> -> memref<40xi32, #tpu.memory_space<vmem>>
    %dma_start3A_48 = arith.constant 0 : i32
    %dma_start3A_49 = arith.constant 0 : i32
    %dma_start3A_50 = tpu.memref_slice %arg2[%dma_start3A_48, %dma_start3A_49] : memref<10000x128xf32, #tpu.memory_space<hbm>> -> memref<10000x128xf32, #tpu.memory_space<hbm>>
    tpu.enqueue_indirect_dma source(%dma_start3A_50 : memref<10000x128xf32, #tpu.memory_space<hbm>>) target(%dma_start3A_45 : memref<40x128xf32, #tpu.memory_space<vmem>>) offsets(%dma_start3A_47 : memref<40xi32, #tpu.memory_space<vmem>>) semaphore(%arg15 : memref<!tpu.dma_semaphore, #tpu.memory_space<semaphore_mem>>)
    %dma_start3A_51 = arith.constant 40 : i32
    %dma_start3A_52 = arith.constant 0 : i32
    %dma_start3A_53 = tpu.memref_slice %arg11[%dma_start3A_51, %dma_start3A_52] : memref<80x128xf32, #tpu.memory_space<vmem>> -> memref<40x128xf32, #tpu.memory_space<vmem>>
    %dma_start3A_54 = arith.constant 40 : i32
    %dma_start3A_55 = tpu.memref_slice %arg9[%dma_start3A_54] : memref<10000xi32, #tpu.memory_space<vmem>> -> memref<40xi32, #tpu.memory_space<vmem>>
    %dma_start3A_56 = arith.constant 0 : i32
    %dma_start3A_57 = arith.constant 0 : i32
    %dma_start3A_58 = tpu.memref_slice %arg2[%dma_start3A_56, %dma_start3A_57] : memref<10000x128xf32, #tpu.memory_space<hbm>> -> memref<10000x128xf32, #tpu.memory_space<hbm>>
    tpu.enqueue_indirect_dma source(%dma_start3A_58 : memref<10000x128xf32, #tpu.memory_space<hbm>>) target(%dma_start3A_53 : memref<40x128xf32, #tpu.memory_space<vmem>>) offsets(%dma_start3A_55 : memref<40xi32, #tpu.memory_space<vmem>>) semaphore(%arg17 : memref<!tpu.dma_semaphore, #tpu.memory_space<semaphore_mem>>)
    %dma_wait3A = arith.constant 0 : i32
    %dma_wait3A_59 = arith.constant 0 : i32
    %dma_wait3A_60 = tpu.memref_slice %arg11[%dma_wait3A, %dma_wait3A_59] : memref<80x128xf32, #tpu.memory_space<vmem>> -> memref<40x128xf32, #tpu.memory_space<vmem>>
    %dma_wait3A_61 = arith.constant 0 : i32
    %dma_wait3A_62 = tpu.memref_slice %arg9[%dma_wait3A_61] : memref<10000xi32, #tpu.memory_space<vmem>> -> memref<40xi32, #tpu.memory_space<vmem>>
    %dma_wait3A_63 = arith.constant 0 : i32
    %dma_wait3A_64 = arith.constant 0 : i32
    %dma_wait3A_65 = tpu.memref_slice %arg2[%dma_wait3A_63, %dma_wait3A_64] : memref<10000x128xf32, #tpu.memory_space<hbm>> -> memref<10000x128xf32, #tpu.memory_space<hbm>>
    tpu.wait_indirect_dma semaphore(%arg15 : memref<!tpu.dma_semaphore, #tpu.memory_space<semaphore_mem>>) src(%dma_wait3A_65 : memref<10000x128xf32, #tpu.memory_space<hbm>>) dst(%dma_wait3A_60 : memref<40x128xf32, #tpu.memory_space<vmem>>)
    %dma_wait3A_66 = arith.constant 40 : i32
    %dma_wait3A_67 = arith.constant 0 : i32
    %dma_wait3A_68 = tpu.memref_slice %arg11[%dma_wait3A_66, %dma_wait3A_67] : memref<80x128xf32, #tpu.memory_space<vmem>> -> memref<40x128xf32, #tpu.memory_space<vmem>>
    %dma_wait3A_69 = arith.constant 40 : i32
    %dma_wait3A_70 = tpu.memref_slice %arg9[%dma_wait3A_69] : memref<10000xi32, #tpu.memory_space<vmem>> -> memref<40xi32, #tpu.memory_space<vmem>>
    %dma_wait3A_71 = arith.constant 0 : i32
    %dma_wait3A_72 = arith.constant 0 : i32
    %dma_wait3A_73 = tpu.memref_slice %arg2[%dma_wait3A_71, %dma_wait3A_72] : memref<10000x128xf32, #tpu.memory_space<hbm>> -> memref<10000x128xf32, #tpu.memory_space<hbm>>
    tpu.wait_indirect_dma semaphore(%arg17 : memref<!tpu.dma_semaphore, #tpu.memory_space<semaphore_mem>>) src(%dma_wait3A_73 : memref<10000x128xf32, #tpu.memory_space<hbm>>) dst(%dma_wait3A_68 : memref<40x128xf32, #tpu.memory_space<vmem>>)
    %dma_start3A_74 = arith.constant 0 : i32
    %dma_start3A_75 = arith.constant 0 : i32
    %dma_start3A_76 = tpu.memref_slice %arg10[%dma_start3A_74, %dma_start3A_75] : memref<125x80xi32, #tpu.memory_space<vmem>> -> memref<1x80xi32, #tpu.memory_space<vmem>>
    %dma_start3A_77 = tpu.memref_squeeze %dma_start3A_76 : memref<1x80xi32, #tpu.memory_space<vmem>> -> memref<80xi32, #tpu.memory_space<vmem>>
    %dma_start3A_78 = arith.constant 0 : i32
    %dma_start3A_79 = arith.constant 0 : i32
    %dma_start3A_80 = tpu.memref_slice %arg7[%dma_start3A_78, %dma_start3A_79] : memref<10240x128xf32, #tpu.memory_space<vmem_shared>> -> memref<10240x128xf32, #tpu.memory_space<vmem_shared>>
    tpu.enqueue_indirect_dma source(%arg11 : memref<80x128xf32, #tpu.memory_space<vmem>>) target(%dma_start3A_80 : memref<10240x128xf32, #tpu.memory_space<vmem_shared>>) offsets(%dma_start3A_77 : memref<80xi32, #tpu.memory_space<vmem>>) semaphore(%arg19 : memref<!tpu.dma_semaphore, #tpu.memory_space<semaphore_mem>>) {add = true}
    %dma_start3A_81 = arith.constant 0 : i32
    %dma_start3A_82 = arith.constant 0 : i32
    %dma_start3A_83 = tpu.memref_slice %arg12[%dma_start3A_81, %dma_start3A_82] : memref<80x128xf32, #tpu.memory_space<vmem>> -> memref<40x128xf32, #tpu.memory_space<vmem>>
    %dma_start3A_84 = arith.constant 80 : i32
    %dma_start3A_85 = tpu.memref_slice %arg9[%dma_start3A_84] : memref<10000xi32, #tpu.memory_space<vmem>> -> memref<40xi32, #tpu.memory_space<vmem>>
    %dma_start3A_86 = arith.constant 0 : i32
    %dma_start3A_87 = arith.constant 0 : i32
    %dma_start3A_88 = tpu.memref_slice %arg2[%dma_start3A_86, %dma_start3A_87] : memref<10000x128xf32, #tpu.memory_space<hbm>> -> memref<10000x128xf32, #tpu.memory_space<hbm>>
    tpu.enqueue_indirect_dma source(%dma_start3A_88 : memref<10000x128xf32, #tpu.memory_space<hbm>>) target(%dma_start3A_83 : memref<40x128xf32, #tpu.memory_space<vmem>>) offsets(%dma_start3A_85 : memref<40xi32, #tpu.memory_space<vmem>>) semaphore(%arg16 : memref<!tpu.dma_semaphore, #tpu.memory_space<semaphore_mem>>)
    %dma_start3A_89 = arith.constant 40 : i32
    %dma_start3A_90 = arith.constant 0 : i32
    %dma_start3A_91 = tpu.memref_slice %arg12[%dma_start3A_89, %dma_start3A_90] : memref<80x128xf32, #tpu.memory_space<vmem>> -> memref<40x128xf32, #tpu.memory_space<vmem>>
    %dma_start3A_92 = arith.constant 120 : i32
    %dma_start3A_93 = tpu.memref_slice %arg9[%dma_start3A_92] : memref<10000xi32, #tpu.memory_space<vmem>> -> memref<40xi32, #tpu.memory_space<vmem>>
    %dma_start3A_94 = arith.constant 0 : i32
    %dma_start3A_95 = arith.constant 0 : i32
    %dma_start3A_96 = tpu.memref_slice %arg2[%dma_start3A_94, %dma_start3A_95] : memref<10000x128xf32, #tpu.memory_space<hbm>> -> memref<10000x128xf32, #tpu.memory_space<hbm>>
    tpu.enqueue_indirect_dma source(%dma_start3A_96 : memref<10000x128xf32, #tpu.memory_space<hbm>>) target(%dma_start3A_91 : memref<40x128xf32, #tpu.memory_space<vmem>>) offsets(%dma_start3A_93 : memref<40xi32, #tpu.memory_space<vmem>>) semaphore(%arg18 : memref<!tpu.dma_semaphore, #tpu.memory_space<semaphore_mem>>)
    %run_scoped3A = arith.constant 0 : i32
    "tpu.region"() ({
      %run_scoped3A_188 = tpu.sem_alloc : memref<!tpu.dma_semaphore, #tpu.memory_space<semaphore_mem>>
      %dma_start3A_189 = arith.constant 0 : i32
      %dma_start3A_190 = tpu.memref_slice %arg10[%run_scoped3A, %dma_start3A_189] : memref<125x80xi32, #tpu.memory_space<vmem>> -> memref<1x80xi32, #tpu.memory_space<vmem>>
      %dma_start3A_191 = tpu.memref_squeeze %dma_start3A_190 : memref<1x80xi32, #tpu.memory_space<vmem>> -> memref<80xi32, #tpu.memory_space<vmem>>
      %dma_start3A_192 = arith.constant 0 : i32
      %dma_start3A_193 = tpu.memref_slice %arg8[%dma_start3A_192] : memref<10240xf32, #tpu.memory_space<vmem_shared>> -> memref<10240xf32, #tpu.memory_space<vmem_shared>>
      tpu.enqueue_indirect_dma source(%arg13 : memref<80xf32, #tpu.memory_space<vmem>>) target(%dma_start3A_193 : memref<10240xf32, #tpu.memory_space<vmem_shared>>) offsets(%dma_start3A_191 : memref<80xi32, #tpu.memory_space<vmem>>) semaphore(%run_scoped3A_188 : memref<!tpu.dma_semaphore, #tpu.memory_space<semaphore_mem>>) {add = true}
      %dma_wait3A_194 = arith.constant 0 : i32
      %dma_wait3A_195 = tpu.memref_slice %arg10[%run_scoped3A, %dma_wait3A_194] : memref<125x80xi32, #tpu.memory_space<vmem>> -> memref<1x80xi32, #tpu.memory_space<vmem>>
      %dma_wait3A_196 = tpu.memref_squeeze %dma_wait3A_195 : memref<1x80xi32, #tpu.memory_space<vmem>> -> memref<80xi32, #tpu.memory_space<vmem>>
      %dma_wait3A_197 = arith.constant 0 : i32
      %dma_wait3A_198 = tpu.memref_slice %arg8[%dma_wait3A_197] : memref<10240xf32, #tpu.memory_space<vmem_shared>> -> memref<10240xf32, #tpu.memory_space<vmem_shared>>
      tpu.wait_indirect_dma semaphore(%run_scoped3A_188 : memref<!tpu.dma_semaphore, #tpu.memory_space<semaphore_mem>>) src(%arg13 : memref<80xf32, #tpu.memory_space<vmem>>) dst(%dma_wait3A_198 : memref<10240xf32, #tpu.memory_space<vmem_shared>>)
      tpu.yield
    }) : () -> ()
    %dma_wait3A_97 = arith.constant 0 : i32
    %dma_wait3A_98 = arith.constant 0 : i32
    %dma_wait3A_99 = tpu.memref_slice %arg12[%dma_wait3A_97, %dma_wait3A_98] : memref<80x128xf32, #tpu.memory_space<vmem>> -> memref<40x128xf32, #tpu.memory_space<vmem>>
    %dma_wait3A_100 = arith.constant 80 : i32
    %dma_wait3A_101 = tpu.memref_slice %arg9[%dma_wait3A_100] : memref<10000xi32, #tpu.memory_space<vmem>> -> memref<40xi32, #tpu.memory_space<vmem>>
    %dma_wait3A_102 = arith.constant 0 : i32
    %dma_wait3A_103 = arith.constant 0 : i32
    %dma_wait3A_104 = tpu.memref_slice %arg2[%dma_wait3A_102, %dma_wait3A_103] : memref<10000x128xf32, #tpu.memory_space<hbm>> -> memref<10000x128xf32, #tpu.memory_space<hbm>>
    tpu.wait_indirect_dma semaphore(%arg16 : memref<!tpu.dma_semaphore, #tpu.memory_space<semaphore_mem>>) src(%dma_wait3A_104 : memref<10000x128xf32, #tpu.memory_space<hbm>>) dst(%dma_wait3A_99 : memref<40x128xf32, #tpu.memory_space<vmem>>)
    %dma_wait3A_105 = arith.constant 40 : i32
    %dma_wait3A_106 = arith.constant 0 : i32
    %dma_wait3A_107 = tpu.memref_slice %arg12[%dma_wait3A_105, %dma_wait3A_106] : memref<80x128xf32, #tpu.memory_space<vmem>> -> memref<40x128xf32, #tpu.memory_space<vmem>>
    %dma_wait3A_108 = arith.constant 120 : i32
    %dma_wait3A_109 = tpu.memref_slice %arg9[%dma_wait3A_108] : memref<10000xi32, #tpu.memory_space<vmem>> -> memref<40xi32, #tpu.memory_space<vmem>>
    %dma_wait3A_110 = arith.constant 0 : i32
    %dma_wait3A_111 = arith.constant 0 : i32
    %dma_wait3A_112 = tpu.memref_slice %arg2[%dma_wait3A_110, %dma_wait3A_111] : memref<10000x128xf32, #tpu.memory_space<hbm>> -> memref<10000x128xf32, #tpu.memory_space<hbm>>
    tpu.wait_indirect_dma semaphore(%arg18 : memref<!tpu.dma_semaphore, #tpu.memory_space<semaphore_mem>>) src(%dma_wait3A_112 : memref<10000x128xf32, #tpu.memory_space<hbm>>) dst(%dma_wait3A_107 : memref<40x128xf32, #tpu.memory_space<vmem>>)
    %dma_start3A_113 = arith.constant 1 : i32
    %dma_start3A_114 = arith.constant 0 : i32
    %dma_start3A_115 = tpu.memref_slice %arg10[%dma_start3A_113, %dma_start3A_114] : memref<125x80xi32, #tpu.memory_space<vmem>> -> memref<1x80xi32, #tpu.memory_space<vmem>>
    %dma_start3A_116 = tpu.memref_squeeze %dma_start3A_115 : memref<1x80xi32, #tpu.memory_space<vmem>> -> memref<80xi32, #tpu.memory_space<vmem>>
    %dma_start3A_117 = arith.constant 0 : i32
    %dma_start3A_118 = arith.constant 0 : i32
    %dma_start3A_119 = tpu.memref_slice %arg7[%dma_start3A_117, %dma_start3A_118] : memref<10240x128xf32, #tpu.memory_space<vmem_shared>> -> memref<10240x128xf32, #tpu.memory_space<vmem_shared>>
    tpu.enqueue_indirect_dma source(%arg12 : memref<80x128xf32, #tpu.memory_space<vmem>>) target(%dma_start3A_119 : memref<10240x128xf32, #tpu.memory_space<vmem_shared>>) offsets(%dma_start3A_116 : memref<80xi32, #tpu.memory_space<vmem>>) semaphore(%arg20 : memref<!tpu.dma_semaphore, #tpu.memory_space<semaphore_mem>>) {add = true}
    %dma_wait3A_120 = arith.constant 0 : i32
    %dma_wait3A_121 = arith.constant 0 : i32
    %dma_wait3A_122 = tpu.memref_slice %arg10[%dma_wait3A_120, %dma_wait3A_121] : memref<125x80xi32, #tpu.memory_space<vmem>> -> memref<1x80xi32, #tpu.memory_space<vmem>>
    %dma_wait3A_123 = tpu.memref_squeeze %dma_wait3A_122 : memref<1x80xi32, #tpu.memory_space<vmem>> -> memref<80xi32, #tpu.memory_space<vmem>>
    %dma_wait3A_124 = arith.constant 0 : i32
    %dma_wait3A_125 = arith.constant 0 : i32
    %dma_wait3A_126 = tpu.memref_slice %arg7[%dma_wait3A_124, %dma_wait3A_125] : memref<10240x128xf32, #tpu.memory_space<vmem_shared>> -> memref<10240x128xf32, #tpu.memory_space<vmem_shared>>
    tpu.wait_indirect_dma semaphore(%arg19 : memref<!tpu.dma_semaphore, #tpu.memory_space<semaphore_mem>>) src(%arg11 : memref<80x128xf32, #tpu.memory_space<vmem>>) dst(%dma_wait3A_126 : memref<10240x128xf32, #tpu.memory_space<vmem_shared>>)
    %dma_start3A_127 = arith.constant 0 : i32
    %dma_start3A_128 = arith.constant 0 : i32
    %dma_start3A_129 = tpu.memref_slice %arg11[%dma_start3A_127, %dma_start3A_128] : memref<80x128xf32, #tpu.memory_space<vmem>> -> memref<40x128xf32, #tpu.memory_space<vmem>>
    %dma_start3A_130 = arith.constant 160 : i32
    %dma_start3A_131 = tpu.memref_slice %arg9[%dma_start3A_130] : memref<10000xi32, #tpu.memory_space<vmem>> -> memref<40xi32, #tpu.memory_space<vmem>>
    %dma_start3A_132 = arith.constant 0 : i32
    %dma_start3A_133 = arith.constant 0 : i32
    %dma_start3A_134 = tpu.memref_slice %arg2[%dma_start3A_132, %dma_start3A_133] : memref<10000x128xf32, #tpu.memory_space<hbm>> -> memref<10000x128xf32, #tpu.memory_space<hbm>>
    tpu.enqueue_indirect_dma source(%dma_start3A_134 : memref<10000x128xf32, #tpu.memory_space<hbm>>) target(%dma_start3A_129 : memref<40x128xf32, #tpu.memory_space<vmem>>) offsets(%dma_start3A_131 : memref<40xi32, #tpu.memory_space<vmem>>) semaphore(%arg15 : memref<!tpu.dma_semaphore, #tpu.memory_space<semaphore_mem>>)
    %dma_start3A_135 = arith.constant 40 : i32
    %dma_start3A_136 = arith.constant 0 : i32
    %dma_start3A_137 = tpu.memref_slice %arg11[%dma_start3A_135, %dma_start3A_136] : memref<80x128xf32, #tpu.memory_space<vmem>> -> memref<40x128xf32, #tpu.memory_space<vmem>>
    %dma_start3A_138 = arith.constant 200 : i32
    %dma_start3A_139 = tpu.memref_slice %arg9[%dma_start3A_138] : memref<10000xi32, #tpu.memory_space<vmem>> -> memref<40xi32, #tpu.memory_space<vmem>>
    %dma_start3A_140 = arith.constant 0 : i32
    %dma_start3A_141 = arith.constant 0 : i32
    %dma_start3A_142 = tpu.memref_slice %arg2[%dma_start3A_140, %dma_start3A_141] : memref<10000x128xf32, #tpu.memory_space<hbm>> -> memref<10000x128xf32, #tpu.memory_space<hbm>>
    tpu.enqueue_indirect_dma source(%dma_start3A_142 : memref<10000x128xf32, #tpu.memory_space<hbm>>) target(%dma_start3A_137 : memref<40x128xf32, #tpu.memory_space<vmem>>) offsets(%dma_start3A_139 : memref<40xi32, #tpu.memory_space<vmem>>) semaphore(%arg17 : memref<!tpu.dma_semaphore, #tpu.memory_space<semaphore_mem>>)
    %run_scoped3A_143 = arith.constant 1 : i32
    "tpu.region"() ({
      %run_scoped3A_188 = tpu.sem_alloc : memref<!tpu.dma_semaphore, #tpu.memory_space<semaphore_mem>>
      %dma_start3A_189 = arith.constant 0 : i32
      %dma_start3A_190 = tpu.memref_slice %arg10[%run_scoped3A_143, %dma_start3A_189] : memref<125x80xi32, #tpu.memory_space<vmem>> -> memref<1x80xi32, #tpu.memory_space<vmem>>
      %dma_start3A_191 = tpu.memref_squeeze %dma_start3A_190 : memref<1x80xi32, #tpu.memory_space<vmem>> -> memref<80xi32, #tpu.memory_space<vmem>>
      %dma_start3A_192 = arith.constant 0 : i32
      %dma_start3A_193 = tpu.memref_slice %arg8[%dma_start3A_192] : memref<10240xf32, #tpu.memory_space<vmem_shared>> -> memref<10240xf32, #tpu.memory_space<vmem_shared>>
      tpu.enqueue_indirect_dma source(%arg13 : memref<80xf32, #tpu.memory_space<vmem>>) target(%dma_start3A_193 : memref<10240xf32, #tpu.memory_space<vmem_shared>>) offsets(%dma_start3A_191 : memref<80xi32, #tpu.memory_space<vmem>>) semaphore(%run_scoped3A_188 : memref<!tpu.dma_semaphore, #tpu.memory_space<semaphore_mem>>) {add = true}
      %dma_wait3A_194 = arith.constant 0 : i32
      %dma_wait3A_195 = tpu.memref_slice %arg10[%run_scoped3A_143, %dma_wait3A_194] : memref<125x80xi32, #tpu.memory_space<vmem>> -> memref<1x80xi32, #tpu.memory_space<vmem>>
      %dma_wait3A_196 = tpu.memref_squeeze %dma_wait3A_195 : memref<1x80xi32, #tpu.memory_space<vmem>> -> memref<80xi32, #tpu.memory_space<vmem>>
      %dma_wait3A_197 = arith.constant 0 : i32
      %dma_wait3A_198 = tpu.memref_slice %arg8[%dma_wait3A_197] : memref<10240xf32, #tpu.memory_space<vmem_shared>> -> memref<10240xf32, #tpu.memory_space<vmem_shared>>
      tpu.wait_indirect_dma semaphore(%run_scoped3A_188 : memref<!tpu.dma_semaphore, #tpu.memory_space<semaphore_mem>>) src(%arg13 : memref<80xf32, #tpu.memory_space<vmem>>) dst(%dma_wait3A_198 : memref<10240xf32, #tpu.memory_space<vmem_shared>>)
      tpu.yield
    }) : () -> ()
    %scan3A_144 = arith.constant 0 : i32
    %scan3A_145 = arith.constant 61 : i32
    %scan3A_146 = arith.addi %scan3A_144, %scan3A_145 : i32
    %scan3A_147 = arith.constant 1 : i32
    scf.for %scan3A_188 = %scan3A_144 to %scan3A_146 step %scan3A_147  : i32 {
      %mul3A_189 = arith.constant 2 : i32
      %mul3A_190 = arith.muli %scan3A_188, %mul3A_189 : i32
      %add3A_191 = arith.constant 2 : i32
      %add3A_192 = arith.addi %add3A_191, %mul3A_190 : i32
      %add3A_193 = arith.constant 0 : i32
      %add3A_194 = arith.addi %add3A_192, %add3A_193 : i32
      %mul3A_195 = arith.constant 80 : i32
      %mul3A_196 = arith.muli %add3A_194, %mul3A_195 : i32
      %dma_wait3A_197 = arith.constant 0 : i32
      %dma_wait3A_198 = arith.constant 0 : i32
      %dma_wait3A_199 = tpu.memref_slice %arg11[%dma_wait3A_197, %dma_wait3A_198] : memref<80x128xf32, #tpu.memory_space<vmem>> -> memref<40x128xf32, #tpu.memory_space<vmem>>
      %dma_wait3A_200 = tpu.memref_slice %arg9[%mul3A_196] : memref<10000xi32, #tpu.memory_space<vmem>> -> memref<40xi32, #tpu.memory_space<vmem>>
      %dma_wait3A_201 = arith.constant 0 : i32
      %dma_wait3A_202 = arith.constant 0 : i32
      %dma_wait3A_203 = tpu.memref_slice %arg2[%dma_wait3A_201, %dma_wait3A_202] : memref<10000x128xf32, #tpu.memory_space<hbm>> -> memref<10000x128xf32, #tpu.memory_space<hbm>>
      tpu.wait_indirect_dma semaphore(%arg15 : memref<!tpu.dma_semaphore, #tpu.memory_space<semaphore_mem>>) src(%dma_wait3A_203 : memref<10000x128xf32, #tpu.memory_space<hbm>>) dst(%dma_wait3A_199 : memref<40x128xf32, #tpu.memory_space<vmem>>)
      %mul3A_204 = arith.constant 80 : i32
      %mul3A_205 = arith.muli %add3A_194, %mul3A_204 : i32
      %add3A_206 = arith.constant 40 : i32
      %add3A_207 = arith.addi %mul3A_205, %add3A_206 : i32
      %dma_wait3A_208 = arith.constant 40 : i32
      %dma_wait3A_209 = arith.constant 0 : i32
      %dma_wait3A_210 = tpu.memref_slice %arg11[%dma_wait3A_208, %dma_wait3A_209] : memref<80x128xf32, #tpu.memory_space<vmem>> -> memref<40x128xf32, #tpu.memory_space<vmem>>
      %dma_wait3A_211 = tpu.memref_slice %arg9[%add3A_207] : memref<10000xi32, #tpu.memory_space<vmem>> -> memref<40xi32, #tpu.memory_space<vmem>>
      %dma_wait3A_212 = arith.constant 0 : i32
      %dma_wait3A_213 = arith.constant 0 : i32
      %dma_wait3A_214 = tpu.memref_slice %arg2[%dma_wait3A_212, %dma_wait3A_213] : memref<10000x128xf32, #tpu.memory_space<hbm>> -> memref<10000x128xf32, #tpu.memory_space<hbm>>
      tpu.wait_indirect_dma semaphore(%arg17 : memref<!tpu.dma_semaphore, #tpu.memory_space<semaphore_mem>>) src(%dma_wait3A_214 : memref<10000x128xf32, #tpu.memory_space<hbm>>) dst(%dma_wait3A_210 : memref<40x128xf32, #tpu.memory_space<vmem>>)
      %dma_start3A_215 = arith.constant 0 : i32
      %dma_start3A_216 = tpu.memref_slice %arg10[%add3A_194, %dma_start3A_215] : memref<125x80xi32, #tpu.memory_space<vmem>> -> memref<1x80xi32, #tpu.memory_space<vmem>>
      %dma_start3A_217 = tpu.memref_squeeze %dma_start3A_216 : memref<1x80xi32, #tpu.memory_space<vmem>> -> memref<80xi32, #tpu.memory_space<vmem>>
      %dma_start3A_218 = arith.constant 0 : i32
      %dma_start3A_219 = arith.constant 0 : i32
      %dma_start3A_220 = tpu.memref_slice %arg7[%dma_start3A_218, %dma_start3A_219] : memref<10240x128xf32, #tpu.memory_space<vmem_shared>> -> memref<10240x128xf32, #tpu.memory_space<vmem_shared>>
      tpu.enqueue_indirect_dma source(%arg11 : memref<80x128xf32, #tpu.memory_space<vmem>>) target(%dma_start3A_220 : memref<10240x128xf32, #tpu.memory_space<vmem_shared>>) offsets(%dma_start3A_217 : memref<80xi32, #tpu.memory_space<vmem>>) semaphore(%arg19 : memref<!tpu.dma_semaphore, #tpu.memory_space<semaphore_mem>>) {add = true}
      %sub3A = arith.constant 1 : i32
      %sub3A_221 = arith.subi %add3A_194, %sub3A : i32
      %dma_wait3A_222 = arith.constant 0 : i32
      %dma_wait3A_223 = tpu.memref_slice %arg10[%sub3A_221, %dma_wait3A_222] : memref<125x80xi32, #tpu.memory_space<vmem>> -> memref<1x80xi32, #tpu.memory_space<vmem>>
      %dma_wait3A_224 = tpu.memref_squeeze %dma_wait3A_223 : memref<1x80xi32, #tpu.memory_space<vmem>> -> memref<80xi32, #tpu.memory_space<vmem>>
      %dma_wait3A_225 = arith.constant 0 : i32
      %dma_wait3A_226 = arith.constant 0 : i32
      %dma_wait3A_227 = tpu.memref_slice %arg7[%dma_wait3A_225, %dma_wait3A_226] : memref<10240x128xf32, #tpu.memory_space<vmem_shared>> -> memref<10240x128xf32, #tpu.memory_space<vmem_shared>>
      tpu.wait_indirect_dma semaphore(%arg20 : memref<!tpu.dma_semaphore, #tpu.memory_space<semaphore_mem>>) src(%arg12 : memref<80x128xf32, #tpu.memory_space<vmem>>) dst(%dma_wait3A_227 : memref<10240x128xf32, #tpu.memory_space<vmem_shared>>)
      %add3A_228 = arith.constant 1 : i32
      %add3A_229 = arith.addi %add3A_194, %add3A_228 : i32
      %mul3A_230 = arith.constant 80 : i32
      %mul3A_231 = arith.muli %add3A_229, %mul3A_230 : i32
      %dma_start3A_232 = arith.constant 0 : i32
      %dma_start3A_233 = arith.constant 0 : i32
      %dma_start3A_234 = tpu.memref_slice %arg12[%dma_start3A_232, %dma_start3A_233] : memref<80x128xf32, #tpu.memory_space<vmem>> -> memref<40x128xf32, #tpu.memory_space<vmem>>
      %dma_start3A_235 = tpu.memref_slice %arg9[%mul3A_231] : memref<10000xi32, #tpu.memory_space<vmem>> -> memref<40xi32, #tpu.memory_space<vmem>>
      %dma_start3A_236 = arith.constant 0 : i32
      %dma_start3A_237 = arith.constant 0 : i32
      %dma_start3A_238 = tpu.memref_slice %arg2[%dma_start3A_236, %dma_start3A_237] : memref<10000x128xf32, #tpu.memory_space<hbm>> -> memref<10000x128xf32, #tpu.memory_space<hbm>>
      tpu.enqueue_indirect_dma source(%dma_start3A_238 : memref<10000x128xf32, #tpu.memory_space<hbm>>) target(%dma_start3A_234 : memref<40x128xf32, #tpu.memory_space<vmem>>) offsets(%dma_start3A_235 : memref<40xi32, #tpu.memory_space<vmem>>) semaphore(%arg16 : memref<!tpu.dma_semaphore, #tpu.memory_space<semaphore_mem>>)
      %mul3A_239 = arith.constant 80 : i32
      %mul3A_240 = arith.muli %add3A_229, %mul3A_239 : i32
      %add3A_241 = arith.constant 40 : i32
      %add3A_242 = arith.addi %mul3A_240, %add3A_241 : i32
      %dma_start3A_243 = arith.constant 40 : i32
      %dma_start3A_244 = arith.constant 0 : i32
      %dma_start3A_245 = tpu.memref_slice %arg12[%dma_start3A_243, %dma_start3A_244] : memref<80x128xf32, #tpu.memory_space<vmem>> -> memref<40x128xf32, #tpu.memory_space<vmem>>
      %dma_start3A_246 = tpu.memref_slice %arg9[%add3A_242] : memref<10000xi32, #tpu.memory_space<vmem>> -> memref<40xi32, #tpu.memory_space<vmem>>
      %dma_start3A_247 = arith.constant 0 : i32
      %dma_start3A_248 = arith.constant 0 : i32
      %dma_start3A_249 = tpu.memref_slice %arg2[%dma_start3A_247, %dma_start3A_248] : memref<10000x128xf32, #tpu.memory_space<hbm>> -> memref<10000x128xf32, #tpu.memory_space<hbm>>
      tpu.enqueue_indirect_dma source(%dma_start3A_249 : memref<10000x128xf32, #tpu.memory_space<hbm>>) target(%dma_start3A_245 : memref<40x128xf32, #tpu.memory_space<vmem>>) offsets(%dma_start3A_246 : memref<40xi32, #tpu.memory_space<vmem>>) semaphore(%arg18 : memref<!tpu.dma_semaphore, #tpu.memory_space<semaphore_mem>>)
      "tpu.region"() ({
        %run_scoped3A_308 = tpu.sem_alloc : memref<!tpu.dma_semaphore, #tpu.memory_space<semaphore_mem>>
        %dma_start3A_309 = arith.constant 0 : i32
        %dma_start3A_310 = tpu.memref_slice %arg10[%add3A_194, %dma_start3A_309] : memref<125x80xi32, #tpu.memory_space<vmem>> -> memref<1x80xi32, #tpu.memory_space<vmem>>
        %dma_start3A_311 = tpu.memref_squeeze %dma_start3A_310 : memref<1x80xi32, #tpu.memory_space<vmem>> -> memref<80xi32, #tpu.memory_space<vmem>>
        %dma_start3A_312 = arith.constant 0 : i32
        %dma_start3A_313 = tpu.memref_slice %arg8[%dma_start3A_312] : memref<10240xf32, #tpu.memory_space<vmem_shared>> -> memref<10240xf32, #tpu.memory_space<vmem_shared>>
        tpu.enqueue_indirect_dma source(%arg13 : memref<80xf32, #tpu.memory_space<vmem>>) target(%dma_start3A_313 : memref<10240xf32, #tpu.memory_space<vmem_shared>>) offsets(%dma_start3A_311 : memref<80xi32, #tpu.memory_space<vmem>>) semaphore(%run_scoped3A_308 : memref<!tpu.dma_semaphore, #tpu.memory_space<semaphore_mem>>) {add = true}
        %dma_wait3A_314 = arith.constant 0 : i32
        %dma_wait3A_315 = tpu.memref_slice %arg10[%add3A_194, %dma_wait3A_314] : memref<125x80xi32, #tpu.memory_space<vmem>> -> memref<1x80xi32, #tpu.memory_space<vmem>>
        %dma_wait3A_316 = tpu.memref_squeeze %dma_wait3A_315 : memref<1x80xi32, #tpu.memory_space<vmem>> -> memref<80xi32, #tpu.memory_space<vmem>>
        %dma_wait3A_317 = arith.constant 0 : i32
        %dma_wait3A_318 = tpu.memref_slice %arg8[%dma_wait3A_317] : memref<10240xf32, #tpu.memory_space<vmem_shared>> -> memref<10240xf32, #tpu.memory_space<vmem_shared>>
        tpu.wait_indirect_dma semaphore(%run_scoped3A_308 : memref<!tpu.dma_semaphore, #tpu.memory_space<semaphore_mem>>) src(%arg13 : memref<80xf32, #tpu.memory_space<vmem>>) dst(%dma_wait3A_318 : memref<10240xf32, #tpu.memory_space<vmem_shared>>)
        tpu.yield
      }) : () -> ()
      %add3A_250 = arith.constant 1 : i32
      %add3A_251 = arith.addi %add3A_192, %add3A_250 : i32
      %mul3A_252 = arith.constant 80 : i32
      %mul3A_253 = arith.muli %add3A_251, %mul3A_252 : i32
      %dma_wait3A_254 = arith.constant 0 : i32
      %dma_wait3A_255 = arith.constant 0 : i32
      %dma_wait3A_256 = tpu.memref_slice %arg12[%dma_wait3A_254, %dma_wait3A_255] : memref<80x128xf32, #tpu.memory_space<vmem>> -> memref<40x128xf32, #tpu.memory_space<vmem>>
      %dma_wait3A_257 = tpu.memref_slice %arg9[%mul3A_253] : memref<10000xi32, #tpu.memory_space<vmem>> -> memref<40xi32, #tpu.memory_space<vmem>>
      %dma_wait3A_258 = arith.constant 0 : i32
      %dma_wait3A_259 = arith.constant 0 : i32
      %dma_wait3A_260 = tpu.memref_slice %arg2[%dma_wait3A_258, %dma_wait3A_259] : memref<10000x128xf32, #tpu.memory_space<hbm>> -> memref<10000x128xf32, #tpu.memory_space<hbm>>
      tpu.wait_indirect_dma semaphore(%arg16 : memref<!tpu.dma_semaphore, #tpu.memory_space<semaphore_mem>>) src(%dma_wait3A_260 : memref<10000x128xf32, #tpu.memory_space<hbm>>) dst(%dma_wait3A_256 : memref<40x128xf32, #tpu.memory_space<vmem>>)
      %mul3A_261 = arith.constant 80 : i32
      %mul3A_262 = arith.muli %add3A_251, %mul3A_261 : i32
      %add3A_263 = arith.constant 40 : i32
      %add3A_264 = arith.addi %mul3A_262, %add3A_263 : i32
      %dma_wait3A_265 = arith.constant 40 : i32
      %dma_wait3A_266 = arith.constant 0 : i32
      %dma_wait3A_267 = tpu.memref_slice %arg12[%dma_wait3A_265, %dma_wait3A_266] : memref<80x128xf32, #tpu.memory_space<vmem>> -> memref<40x128xf32, #tpu.memory_space<vmem>>
      %dma_wait3A_268 = tpu.memref_slice %arg9[%add3A_264] : memref<10000xi32, #tpu.memory_space<vmem>> -> memref<40xi32, #tpu.memory_space<vmem>>
      %dma_wait3A_269 = arith.constant 0 : i32
      %dma_wait3A_270 = arith.constant 0 : i32
      %dma_wait3A_271 = tpu.memref_slice %arg2[%dma_wait3A_269, %dma_wait3A_270] : memref<10000x128xf32, #tpu.memory_space<hbm>> -> memref<10000x128xf32, #tpu.memory_space<hbm>>
      tpu.wait_indirect_dma semaphore(%arg18 : memref<!tpu.dma_semaphore, #tpu.memory_space<semaphore_mem>>) src(%dma_wait3A_271 : memref<10000x128xf32, #tpu.memory_space<hbm>>) dst(%dma_wait3A_267 : memref<40x128xf32, #tpu.memory_space<vmem>>)
      %dma_start3A_272 = arith.constant 0 : i32
      %dma_start3A_273 = tpu.memref_slice %arg10[%add3A_251, %dma_start3A_272] : memref<125x80xi32, #tpu.memory_space<vmem>> -> memref<1x80xi32, #tpu.memory_space<vmem>>
      %dma_start3A_274 = tpu.memref_squeeze %dma_start3A_273 : memref<1x80xi32, #tpu.memory_space<vmem>> -> memref<80xi32, #tpu.memory_space<vmem>>
      %dma_start3A_275 = arith.constant 0 : i32
      %dma_start3A_276 = arith.constant 0 : i32
      %dma_start3A_277 = tpu.memref_slice %arg7[%dma_start3A_275, %dma_start3A_276] : memref<10240x128xf32, #tpu.memory_space<vmem_shared>> -> memref<10240x128xf32, #tpu.memory_space<vmem_shared>>
      tpu.enqueue_indirect_dma source(%arg12 : memref<80x128xf32, #tpu.memory_space<vmem>>) target(%dma_start3A_277 : memref<10240x128xf32, #tpu.memory_space<vmem_shared>>) offsets(%dma_start3A_274 : memref<80xi32, #tpu.memory_space<vmem>>) semaphore(%arg20 : memref<!tpu.dma_semaphore, #tpu.memory_space<semaphore_mem>>) {add = true}
      %sub3A_278 = arith.constant 1 : i32
      %sub3A_279 = arith.subi %add3A_251, %sub3A_278 : i32
      %dma_wait3A_280 = arith.constant 0 : i32
      %dma_wait3A_281 = tpu.memref_slice %arg10[%sub3A_279, %dma_wait3A_280] : memref<125x80xi32, #tpu.memory_space<vmem>> -> memref<1x80xi32, #tpu.memory_space<vmem>>
      %dma_wait3A_282 = tpu.memref_squeeze %dma_wait3A_281 : memref<1x80xi32, #tpu.memory_space<vmem>> -> memref<80xi32, #tpu.memory_space<vmem>>
      %dma_wait3A_283 = arith.constant 0 : i32
      %dma_wait3A_284 = arith.constant 0 : i32
      %dma_wait3A_285 = tpu.memref_slice %arg7[%dma_wait3A_283, %dma_wait3A_284] : memref<10240x128xf32, #tpu.memory_space<vmem_shared>> -> memref<10240x128xf32, #tpu.memory_space<vmem_shared>>
      tpu.wait_indirect_dma semaphore(%arg19 : memref<!tpu.dma_semaphore, #tpu.memory_space<semaphore_mem>>) src(%arg11 : memref<80x128xf32, #tpu.memory_space<vmem>>) dst(%dma_wait3A_285 : memref<10240x128xf32, #tpu.memory_space<vmem_shared>>)
      %add3A_286 = arith.constant 1 : i32
      %add3A_287 = arith.addi %add3A_251, %add3A_286 : i32
      %mul3A_288 = arith.constant 80 : i32
      %mul3A_289 = arith.muli %add3A_287, %mul3A_288 : i32
      %dma_start3A_290 = arith.constant 0 : i32
      %dma_start3A_291 = arith.constant 0 : i32
      %dma_start3A_292 = tpu.memref_slice %arg11[%dma_start3A_290, %dma_start3A_291] : memref<80x128xf32, #tpu.memory_space<vmem>> -> memref<40x128xf32, #tpu.memory_space<vmem>>
      %dma_start3A_293 = tpu.memref_slice %arg9[%mul3A_289] : memref<10000xi32, #tpu.memory_space<vmem>> -> memref<40xi32, #tpu.memory_space<vmem>>
      %dma_start3A_294 = arith.constant 0 : i32
      %dma_start3A_295 = arith.constant 0 : i32
      %dma_start3A_296 = tpu.memref_slice %arg2[%dma_start3A_294, %dma_start3A_295] : memref<10000x128xf32, #tpu.memory_space<hbm>> -> memref<10000x128xf32, #tpu.memory_space<hbm>>
      tpu.enqueue_indirect_dma source(%dma_start3A_296 : memref<10000x128xf32, #tpu.memory_space<hbm>>) target(%dma_start3A_292 : memref<40x128xf32, #tpu.memory_space<vmem>>) offsets(%dma_start3A_293 : memref<40xi32, #tpu.memory_space<vmem>>) semaphore(%arg15 : memref<!tpu.dma_semaphore, #tpu.memory_space<semaphore_mem>>)
      %mul3A_297 = arith.constant 80 : i32
      %mul3A_298 = arith.muli %add3A_287, %mul3A_297 : i32
      %add3A_299 = arith.constant 40 : i32
      %add3A_300 = arith.addi %mul3A_298, %add3A_299 : i32
      %dma_start3A_301 = arith.constant 40 : i32
      %dma_start3A_302 = arith.constant 0 : i32
      %dma_start3A_303 = tpu.memref_slice %arg11[%dma_start3A_301, %dma_start3A_302] : memref<80x128xf32, #tpu.memory_space<vmem>> -> memref<40x128xf32, #tpu.memory_space<vmem>>
      %dma_start3A_304 = tpu.memref_slice %arg9[%add3A_300] : memref<10000xi32, #tpu.memory_space<vmem>> -> memref<40xi32, #tpu.memory_space<vmem>>
      %dma_start3A_305 = arith.constant 0 : i32
      %dma_start3A_306 = arith.constant 0 : i32
      %dma_start3A_307 = tpu.memref_slice %arg2[%dma_start3A_305, %dma_start3A_306] : memref<10000x128xf32, #tpu.memory_space<hbm>> -> memref<10000x128xf32, #tpu.memory_space<hbm>>
      tpu.enqueue_indirect_dma source(%dma_start3A_307 : memref<10000x128xf32, #tpu.memory_space<hbm>>) target(%dma_start3A_303 : memref<40x128xf32, #tpu.memory_space<vmem>>) offsets(%dma_start3A_304 : memref<40xi32, #tpu.memory_space<vmem>>) semaphore(%arg17 : memref<!tpu.dma_semaphore, #tpu.memory_space<semaphore_mem>>)
      "tpu.region"() ({
        %run_scoped3A_308 = tpu.sem_alloc : memref<!tpu.dma_semaphore, #tpu.memory_space<semaphore_mem>>
        %dma_start3A_309 = arith.constant 0 : i32
        %dma_start3A_310 = tpu.memref_slice %arg10[%add3A_251, %dma_start3A_309] : memref<125x80xi32, #tpu.memory_space<vmem>> -> memref<1x80xi32, #tpu.memory_space<vmem>>
        %dma_start3A_311 = tpu.memref_squeeze %dma_start3A_310 : memref<1x80xi32, #tpu.memory_space<vmem>> -> memref<80xi32, #tpu.memory_space<vmem>>
        %dma_start3A_312 = arith.constant 0 : i32
        %dma_start3A_313 = tpu.memref_slice %arg8[%dma_start3A_312] : memref<10240xf32, #tpu.memory_space<vmem_shared>> -> memref<10240xf32, #tpu.memory_space<vmem_shared>>
        tpu.enqueue_indirect_dma source(%arg13 : memref<80xf32, #tpu.memory_space<vmem>>) target(%dma_start3A_313 : memref<10240xf32, #tpu.memory_space<vmem_shared>>) offsets(%dma_start3A_311 : memref<80xi32, #tpu.memory_space<vmem>>) semaphore(%run_scoped3A_308 : memref<!tpu.dma_semaphore, #tpu.memory_space<semaphore_mem>>) {add = true}
        %dma_wait3A_314 = arith.constant 0 : i32
        %dma_wait3A_315 = tpu.memref_slice %arg10[%add3A_251, %dma_wait3A_314] : memref<125x80xi32, #tpu.memory_space<vmem>> -> memref<1x80xi32, #tpu.memory_space<vmem>>
        %dma_wait3A_316 = tpu.memref_squeeze %dma_wait3A_315 : memref<1x80xi32, #tpu.memory_space<vmem>> -> memref<80xi32, #tpu.memory_space<vmem>>
        %dma_wait3A_317 = arith.constant 0 : i32
        %dma_wait3A_318 = tpu.memref_slice %arg8[%dma_wait3A_317] : memref<10240xf32, #tpu.memory_space<vmem_shared>> -> memref<10240xf32, #tpu.memory_space<vmem_shared>>
        tpu.wait_indirect_dma semaphore(%run_scoped3A_308 : memref<!tpu.dma_semaphore, #tpu.memory_space<semaphore_mem>>) src(%arg13 : memref<80xf32, #tpu.memory_space<vmem>>) dst(%dma_wait3A_318 : memref<10240xf32, #tpu.memory_space<vmem_shared>>)
        tpu.yield
      }) : () -> ()
    }
    %scan3A_148 = arith.constant 61 : i32
    %dma_wait3A_149 = arith.constant 0 : i32
    %dma_wait3A_150 = arith.constant 0 : i32
    %dma_wait3A_151 = tpu.memref_slice %arg11[%dma_wait3A_149, %dma_wait3A_150] : memref<80x128xf32, #tpu.memory_space<vmem>> -> memref<40x128xf32, #tpu.memory_space<vmem>>
    %dma_wait3A_152 = arith.constant 9920 : i32
    %dma_wait3A_153 = tpu.memref_slice %arg9[%dma_wait3A_152] : memref<10000xi32, #tpu.memory_space<vmem>> -> memref<40xi32, #tpu.memory_space<vmem>>
    %dma_wait3A_154 = arith.constant 0 : i32
    %dma_wait3A_155 = arith.constant 0 : i32
    %dma_wait3A_156 = tpu.memref_slice %arg2[%dma_wait3A_154, %dma_wait3A_155] : memref<10000x128xf32, #tpu.memory_space<hbm>> -> memref<10000x128xf32, #tpu.memory_space<hbm>>
    tpu.wait_indirect_dma semaphore(%arg15 : memref<!tpu.dma_semaphore, #tpu.memory_space<semaphore_mem>>) src(%dma_wait3A_156 : memref<10000x128xf32, #tpu.memory_space<hbm>>) dst(%dma_wait3A_151 : memref<40x128xf32, #tpu.memory_space<vmem>>)
    %dma_wait3A_157 = arith.constant 40 : i32
    %dma_wait3A_158 = arith.constant 0 : i32
    %dma_wait3A_159 = tpu.memref_slice %arg11[%dma_wait3A_157, %dma_wait3A_158] : memref<80x128xf32, #tpu.memory_space<vmem>> -> memref<40x128xf32, #tpu.memory_space<vmem>>
    %dma_wait3A_160 = arith.constant 9960 : i32
    %dma_wait3A_161 = tpu.memref_slice %arg9[%dma_wait3A_160] : memref<10000xi32, #tpu.memory_space<vmem>> -> memref<40xi32, #tpu.memory_space<vmem>>
    %dma_wait3A_162 = arith.constant 0 : i32
    %dma_wait3A_163 = arith.constant 0 : i32
    %dma_wait3A_164 = tpu.memref_slice %arg2[%dma_wait3A_162, %dma_wait3A_163] : memref<10000x128xf32, #tpu.memory_space<hbm>> -> memref<10000x128xf32, #tpu.memory_space<hbm>>
    tpu.wait_indirect_dma semaphore(%arg17 : memref<!tpu.dma_semaphore, #tpu.memory_space<semaphore_mem>>) src(%dma_wait3A_164 : memref<10000x128xf32, #tpu.memory_space<hbm>>) dst(%dma_wait3A_159 : memref<40x128xf32, #tpu.memory_space<vmem>>)
    %dma_start3A_165 = arith.constant 124 : i32
    %dma_start3A_166 = arith.constant 0 : i32
    %dma_start3A_167 = tpu.memref_slice %arg10[%dma_start3A_165, %dma_start3A_166] : memref<125x80xi32, #tpu.memory_space<vmem>> -> memref<1x80xi32, #tpu.memory_space<vmem>>
    %dma_start3A_168 = tpu.memref_squeeze %dma_start3A_167 : memref<1x80xi32, #tpu.memory_space<vmem>> -> memref<80xi32, #tpu.memory_space<vmem>>
    %dma_start3A_169 = arith.constant 0 : i32
    %dma_start3A_170 = arith.constant 0 : i32
    %dma_start3A_171 = tpu.memref_slice %arg7[%dma_start3A_169, %dma_start3A_170] : memref<10240x128xf32, #tpu.memory_space<vmem_shared>> -> memref<10240x128xf32, #tpu.memory_space<vmem_shared>>
    tpu.enqueue_indirect_dma source(%arg11 : memref<80x128xf32, #tpu.memory_space<vmem>>) target(%dma_start3A_171 : memref<10240x128xf32, #tpu.memory_space<vmem_shared>>) offsets(%dma_start3A_168 : memref<80xi32, #tpu.memory_space<vmem>>) semaphore(%arg19 : memref<!tpu.dma_semaphore, #tpu.memory_space<semaphore_mem>>) {add = true}
    %dma_wait3A_172 = arith.constant 123 : i32
    %dma_wait3A_173 = arith.constant 0 : i32
    %dma_wait3A_174 = tpu.memref_slice %arg10[%dma_wait3A_172, %dma_wait3A_173] : memref<125x80xi32, #tpu.memory_space<vmem>> -> memref<1x80xi32, #tpu.memory_space<vmem>>
    %dma_wait3A_175 = tpu.memref_squeeze %dma_wait3A_174 : memref<1x80xi32, #tpu.memory_space<vmem>> -> memref<80xi32, #tpu.memory_space<vmem>>
    %dma_wait3A_176 = arith.constant 0 : i32
    %dma_wait3A_177 = arith.constant 0 : i32
    %dma_wait3A_178 = tpu.memref_slice %arg7[%dma_wait3A_176, %dma_wait3A_177] : memref<10240x128xf32, #tpu.memory_space<vmem_shared>> -> memref<10240x128xf32, #tpu.memory_space<vmem_shared>>
    tpu.wait_indirect_dma semaphore(%arg20 : memref<!tpu.dma_semaphore, #tpu.memory_space<semaphore_mem>>) src(%arg12 : memref<80x128xf32, #tpu.memory_space<vmem>>) dst(%dma_wait3A_178 : memref<10240x128xf32, #tpu.memory_space<vmem_shared>>)
    %run_scoped3A_179 = arith.constant 124 : i32
    "tpu.region"() ({
      %run_scoped3A_188 = tpu.sem_alloc : memref<!tpu.dma_semaphore, #tpu.memory_space<semaphore_mem>>
      %dma_start3A_189 = arith.constant 0 : i32
      %dma_start3A_190 = tpu.memref_slice %arg10[%run_scoped3A_179, %dma_start3A_189] : memref<125x80xi32, #tpu.memory_space<vmem>> -> memref<1x80xi32, #tpu.memory_space<vmem>>
      %dma_start3A_191 = tpu.memref_squeeze %dma_start3A_190 : memref<1x80xi32, #tpu.memory_space<vmem>> -> memref<80xi32, #tpu.memory_space<vmem>>
      %dma_start3A_192 = arith.constant 0 : i32
      %dma_start3A_193 = tpu.memref_slice %arg8[%dma_start3A_192] : memref<10240xf32, #tpu.memory_space<vmem_shared>> -> memref<10240xf32, #tpu.memory_space<vmem_shared>>
      tpu.enqueue_indirect_dma source(%arg13 : memref<80xf32, #tpu.memory_space<vmem>>) target(%dma_start3A_193 : memref<10240xf32, #tpu.memory_space<vmem_shared>>) offsets(%dma_start3A_191 : memref<80xi32, #tpu.memory_space<vmem>>) semaphore(%run_scoped3A_188 : memref<!tpu.dma_semaphore, #tpu.memory_space<semaphore_mem>>) {add = true}
      %dma_wait3A_194 = arith.constant 0 : i32
      %dma_wait3A_195 = tpu.memref_slice %arg10[%run_scoped3A_179, %dma_wait3A_194] : memref<125x80xi32, #tpu.memory_space<vmem>> -> memref<1x80xi32, #tpu.memory_space<vmem>>
      %dma_wait3A_196 = tpu.memref_squeeze %dma_wait3A_195 : memref<1x80xi32, #tpu.memory_space<vmem>> -> memref<80xi32, #tpu.memory_space<vmem>>
      %dma_wait3A_197 = arith.constant 0 : i32
      %dma_wait3A_198 = tpu.memref_slice %arg8[%dma_wait3A_197] : memref<10240xf32, #tpu.memory_space<vmem_shared>> -> memref<10240xf32, #tpu.memory_space<vmem_shared>>
      tpu.wait_indirect_dma semaphore(%run_scoped3A_188 : memref<!tpu.dma_semaphore, #tpu.memory_space<semaphore_mem>>) src(%arg13 : memref<80xf32, #tpu.memory_space<vmem>>) dst(%dma_wait3A_198 : memref<10240xf32, #tpu.memory_space<vmem_shared>>)
      tpu.yield
    }) : () -> ()
    %dma_wait3A_180 = arith.constant 124 : i32
    %dma_wait3A_181 = arith.constant 0 : i32
    %dma_wait3A_182 = tpu.memref_slice %arg10[%dma_wait3A_180, %dma_wait3A_181] : memref<125x80xi32, #tpu.memory_space<vmem>> -> memref<1x80xi32, #tpu.memory_space<vmem>>
    %dma_wait3A_183 = tpu.memref_squeeze %dma_wait3A_182 : memref<1x80xi32, #tpu.memory_space<vmem>> -> memref<80xi32, #tpu.memory_space<vmem>>
    %dma_wait3A_184 = arith.constant 0 : i32
    %dma_wait3A_185 = arith.constant 0 : i32
    %dma_wait3A_186 = tpu.memref_slice %arg7[%dma_wait3A_184, %dma_wait3A_185] : memref<10240x128xf32, #tpu.memory_space<vmem_shared>> -> memref<10240x128xf32, #tpu.memory_space<vmem_shared>>
    tpu.wait_indirect_dma semaphore(%arg19 : memref<!tpu.dma_semaphore, #tpu.memory_space<semaphore_mem>>) src(%arg11 : memref<80x128xf32, #tpu.memory_space<vmem>>) dst(%dma_wait3A_186 : memref<10240x128xf32, #tpu.memory_space<vmem_shared>>)
    %barrier3A_187 = arith.constant 0 : index
    tpu.barrier barrier_id(%barrier3A_187)
    "tpu.region"() ({
      %run_scoped3A_188 = tpu.sem_alloc : memref<!tpu.dma_semaphore, #tpu.memory_space<semaphore_mem>>
      %dma_start3A_189 = arith.constant 0 : i32
      %dma_start3A_190 = tpu.memref_slice %arg5[%arg0, %mul3A_11, %dma_start3A_189] : memref<2x10240x128xf32, #tpu.memory_space<hbm>> -> memref<1x640x128xf32, #tpu.memory_space<hbm>>
      %dma_start3A_191 = tpu.memref_squeeze %dma_start3A_190 : memref<1x640x128xf32, #tpu.memory_space<hbm>> -> memref<640x128xf32, #tpu.memory_space<hbm>>
      %dma_start3A_192 = arith.constant 0 : i32
      %dma_start3A_193 = tpu.memref_slice %arg7[%mul3A_11, %dma_start3A_192] : memref<10240x128xf32, #tpu.memory_space<vmem_shared>> -> memref<640x128xf32, #tpu.memory_space<vmem_shared>>
      tpu.enqueue_dma source(%dma_start3A_193 : memref<640x128xf32, #tpu.memory_space<vmem_shared>>) target(%dma_start3A_191 : memref<640x128xf32, #tpu.memory_space<hbm>>) target_semaphore(%run_scoped3A_188 : memref<!tpu.dma_semaphore, #tpu.memory_space<semaphore_mem>>)
      %dma_wait3A_194 = arith.constant 0 : i32
      %dma_wait3A_195 = tpu.memref_slice %arg5[%arg0, %mul3A_11, %dma_wait3A_194] : memref<2x10240x128xf32, #tpu.memory_space<hbm>> -> memref<1x640x128xf32, #tpu.memory_space<hbm>>
      %dma_wait3A_196 = tpu.memref_squeeze %dma_wait3A_195 : memref<1x640x128xf32, #tpu.memory_space<hbm>> -> memref<640x128xf32, #tpu.memory_space<hbm>>
      %dma_wait3A_197 = arith.constant 0 : i32
      %dma_wait3A_198 = tpu.memref_slice %arg7[%mul3A_11, %dma_wait3A_197] : memref<10240x128xf32, #tpu.memory_space<vmem_shared>> -> memref<640x128xf32, #tpu.memory_space<vmem_shared>>
      tpu.wait_dma2 semaphore(%run_scoped3A_188 : memref<!tpu.dma_semaphore, #tpu.memory_space<semaphore_mem>>) src(%dma_wait3A_198 : memref<640x128xf32, #tpu.memory_space<vmem_shared>>) dst(%dma_wait3A_196 : memref<640x128xf32, #tpu.memory_space<hbm>>)
      tpu.yield
    }) : () -> ()
    "tpu.region"() ({
      %run_scoped3A_188 = tpu.sem_alloc : memref<!tpu.dma_semaphore, #tpu.memory_space<semaphore_mem>>
      %dma_start3A_189 = tpu.memref_slice %arg6[%arg0, %mul3A_11] : memref<2x10240xf32, #tpu.memory_space<hbm>> -> memref<1x640xf32, #tpu.memory_space<hbm>>
      %dma_start3A_190 = tpu.memref_squeeze %dma_start3A_189 : memref<1x640xf32, #tpu.memory_space<hbm>> -> memref<640xf32, #tpu.memory_space<hbm>>
      %dma_start3A_191 = tpu.memref_slice %arg8[%mul3A_11] : memref<10240xf32, #tpu.memory_space<vmem_shared>> -> memref<640xf32, #tpu.memory_space<vmem_shared>>
      tpu.enqueue_dma source(%dma_start3A_191 : memref<640xf32, #tpu.memory_space<vmem_shared>>) target(%dma_start3A_190 : memref<640xf32, #tpu.memory_space<hbm>>) target_semaphore(%run_scoped3A_188 : memref<!tpu.dma_semaphore, #tpu.memory_space<semaphore_mem>>)
      %dma_wait3A_192 = tpu.memref_slice %arg6[%arg0, %mul3A_11] : memref<2x10240xf32, #tpu.memory_space<hbm>> -> memref<1x640xf32, #tpu.memory_space<hbm>>
      %dma_wait3A_193 = tpu.memref_squeeze %dma_wait3A_192 : memref<1x640xf32, #tpu.memory_space<hbm>> -> memref<640xf32, #tpu.memory_space<hbm>>
      %dma_wait3A_194 = tpu.memref_slice %arg8[%mul3A_11] : memref<10240xf32, #tpu.memory_space<vmem_shared>> -> memref<640xf32, #tpu.memory_space<vmem_shared>>
      tpu.wait_dma2 semaphore(%run_scoped3A_188 : memref<!tpu.dma_semaphore, #tpu.memory_space<semaphore_mem>>) src(%dma_wait3A_194 : memref<640xf32, #tpu.memory_space<vmem_shared>>) dst(%dma_wait3A_193 : memref<640xf32, #tpu.memory_space<hbm>>)
      tpu.yield
    }) : () -> ()
    return
  }
}

module attributes {stable_mosaic.version = 14 : i64} {
  func.func @_tc_self_body(%arg0: i32, %arg1: memref<2000x128xf32, #tpu.memory_space<vmem>>, %arg2: memref<128x256xf32, #tpu.memory_space<vmem>>, %arg3: memref<1x128xf32, #tpu.memory_space<vmem>>, %arg4: memref<2000x128xf32, #tpu.memory_space<vmem>>) attributes {dimension_semantics = [#tpu.dimension_semantics<arbitrary>], iteration_bounds = array<i64: 5>, scalar_prefetch = 0 : i64, scratch_operands = 0 : i64, tpu.core_type = #tpu.core_type<tc>, window_params = [{transform_indices = @transform_0, window_bounds = array<i64: 2000, 128>}, {pipeline_mode = #tpu.pipeline_mode<synchronous>, transform_indices = @transform_1, window_bounds = array<i64: 128, 256>}, {pipeline_mode = #tpu.pipeline_mode<synchronous>, transform_indices = @transform_2, window_bounds = array<i64: 1, 128>}, {transform_indices = @transform_3, window_bounds = array<i64: 2000, 128>}]} {
    %get3A = arith.constant 0 : index
    %get3A_0 = arith.constant 0 : index
    %get3A_1 = vector.load %arg1[%get3A, %get3A_0] : memref<2000x128xf32, #tpu.memory_space<vmem>>, vector<2000x128xf32>
    %get3A_2 = arith.constant 0 : index
    %get3A_3 = arith.constant 0 : index
    %get3A_4 = vector.load %arg2[%get3A_2, %get3A_3] : memref<128x256xf32, #tpu.memory_space<vmem>>, vector<128x128xf32>
    %dot_general3A = arith.constant dense<0.000000e+00> : vector<2000x128xf32>
    %dot_general3A_5 = tpu.matmul %get3A_1, %get3A_4, %dot_general3A {dimension_numbers = #tpu.dot_dimension_numbers<[1], [1], [0], [0], [0, 0, 1, 0], [], []>, transpose_lhs_hint = false} : vector<2000x128xf32>, vector<128x128xf32>, vector<2000x128xf32> -> vector<2000x128xf32>
    %get3A_6 = arith.constant 0 : index
    %get3A_7 = arith.constant 0 : index
    %get3A_8 = vector.load %arg3[%get3A_6, %get3A_7] : memref<1x128xf32, #tpu.memory_space<vmem>>, vector<1x128xf32>
    %add3A = vector.broadcast %get3A_8 : vector<1x128xf32> to vector<2000x128xf32>
    %add3A_9 = arith.addf %dot_general3A_5, %add3A : vector<2000x128xf32>
    %swap3A = arith.constant 0 : index
    %swap3A_10 = arith.constant 0 : index
    %swap3A_11 = vector.load %arg4[%swap3A, %swap3A_10] : memref<2000x128xf32, #tpu.memory_space<vmem>>, vector<2000x128xf32>
    tpu.vector_store %arg4[%swap3A, %swap3A_10], %add3A_9 {strides = array<i32>} : memref<2000x128xf32, #tpu.memory_space<vmem>>, vector<2000x128xf32>,
    return
  }
  func.func @transform_0(%arg0: i32) -> (i32, i32) {
    %c0_i32 = arith.constant 0 : i32
    %c0_i32_0 = arith.constant 0 : i32
    return %arg0, %c0_i32 : i32, i32
  }
  func.func @transform_1(%arg0: i32) -> (i32, i32) {
    %c0_i32 = arith.constant 0 : i32
    %c0_i32_0 = arith.constant 0 : i32
    %c0_i32_1 = arith.constant 0 : i32
    return %c0_i32, %c0_i32_0 : i32, i32
  }
  func.func @transform_2(%arg0: i32) -> (i32, i32) {
    %c0_i32 = arith.constant 0 : i32
    %c0_i32_0 = arith.constant 0 : i32
    %c0_i32_1 = arith.constant 0 : i32
    return %c0_i32, %c0_i32_0 : i32, i32
  }
  func.func @transform_3(%arg0: i32) -> (i32, i32) {
    %c0_i32 = arith.constant 0 : i32
    %c0_i32_0 = arith.constant 0 : i32
    return %arg0, %c0_i32 : i32, i32
  }
}

module attributes {stable_mosaic.version = 14 : i64} {
  func.func @_tc_neigh_body(%arg0: i32, %arg1: memref<2000x128xf32, #tpu.memory_space<vmem>>, %arg2: memref<2x2000x128xf32, #tpu.memory_space<vmem>>, %arg3: memref<2x2000x1xf32, #tpu.memory_space<vmem>>, %arg4: memref<128x256xf32, #tpu.memory_space<vmem>>, %arg5: memref<2000x128xf32, #tpu.memory_space<vmem>>) attributes {dimension_semantics = [#tpu.dimension_semantics<arbitrary>], iteration_bounds = array<i64: 5>, scalar_prefetch = 0 : i64, scratch_operands = 0 : i64, tpu.core_type = #tpu.core_type<tc>, window_params = [{transform_indices = @transform_0, window_bounds = array<i64: 2000, 128>}, {transform_indices = @transform_1, window_bounds = array<i64: 2, 2000, 128>}, {transform_indices = @transform_2, window_bounds = array<i64: 2, 2000, 1>}, {pipeline_mode = #tpu.pipeline_mode<synchronous>, transform_indices = @transform_3, window_bounds = array<i64: 128, 256>}, {transform_indices = @transform_4, window_bounds = array<i64: 2000, 128>}]} {
    %get3A = arith.constant 0 : index
    %get3A_0 = arith.constant 0 : index
    %get3A_1 = arith.constant 0 : index
    %get3A_2 = vector.load %arg3[%get3A, %get3A_0, %get3A_1] : memref<2x2000x1xf32, #tpu.memory_space<vmem>>, vector<1x2000x1xf32>
    %get3A_3 = vector.shape_cast %get3A_2 : vector<1x2000x1xf32> to vector<2000x1xf32>
    %get3A_4 = arith.constant 1 : index
    %get3A_5 = arith.constant 0 : index
    %get3A_6 = arith.constant 0 : index
    %get3A_7 = vector.load %arg3[%get3A_4, %get3A_5, %get3A_6] : memref<2x2000x1xf32, #tpu.memory_space<vmem>>, vector<1x2000x1xf32>
    %get3A_8 = vector.shape_cast %get3A_7 : vector<1x2000x1xf32> to vector<2000x1xf32>
    %add3A = arith.addf %get3A_3, %get3A_8 : vector<2000x1xf32>
    %max3A = arith.constant 1.000000e+00 : f32
    %max3A_9 = vector.broadcast %max3A : f32 to vector<2000x1xf32>
    %max3A_10 = arith.maximumf %add3A, %max3A_9 : vector<2000x1xf32>
    %get3A_11 = arith.constant 0 : index
    %get3A_12 = arith.constant 0 : index
    %get3A_13 = arith.constant 0 : index
    %get3A_14 = vector.load %arg2[%get3A_11, %get3A_12, %get3A_13] : memref<2x2000x128xf32, #tpu.memory_space<vmem>>, vector<1x2000x128xf32>
    %get3A_15 = vector.shape_cast %get3A_14 : vector<1x2000x128xf32> to vector<2000x128xf32>
    %get3A_16 = arith.constant 1 : index
    %get3A_17 = arith.constant 0 : index
    %get3A_18 = arith.constant 0 : index
    %get3A_19 = vector.load %arg2[%get3A_16, %get3A_17, %get3A_18] : memref<2x2000x128xf32, #tpu.memory_space<vmem>>, vector<1x2000x128xf32>
    %get3A_20 = vector.shape_cast %get3A_19 : vector<1x2000x128xf32> to vector<2000x128xf32>
    %add3A_21 = arith.addf %get3A_15, %get3A_20 : vector<2000x128xf32>
    %div3A = vector.broadcast %max3A_10 : vector<2000x1xf32> to vector<2000x128xf32>
    %div3A_22 = arith.divf %add3A_21, %div3A : vector<2000x128xf32>
    %get3A_23 = arith.constant 0 : index
    %get3A_24 = arith.constant 0 : index
    %get3A_25 = vector.load %arg1[%get3A_23, %get3A_24] : memref<2000x128xf32, #tpu.memory_space<vmem>>, vector<2000x128xf32>
    %get3A_26 = arith.constant 0 : index
    %get3A_27 = arith.constant 128 : index
    %get3A_28 = vector.load %arg4[%get3A_26, %get3A_27] : memref<128x256xf32, #tpu.memory_space<vmem>>, vector<128x128xf32>
    %dot_general3A = arith.constant dense<0.000000e+00> : vector<2000x128xf32>
    %dot_general3A_29 = tpu.matmul %div3A_22, %get3A_28, %dot_general3A {dimension_numbers = #tpu.dot_dimension_numbers<[1], [1], [0], [0], [0, 0, 1, 0], [], []>, transpose_lhs_hint = false} : vector<2000x128xf32>, vector<128x128xf32>, vector<2000x128xf32> -> vector<2000x128xf32>
    %add3A_30 = arith.addf %get3A_25, %dot_general3A_29 : vector<2000x128xf32>
    %swap3A = arith.constant 0 : index
    %swap3A_31 = arith.constant 0 : index
    %swap3A_32 = vector.load %arg5[%swap3A, %swap3A_31] : memref<2000x128xf32, #tpu.memory_space<vmem>>, vector<2000x128xf32>
    tpu.vector_store %arg5[%swap3A, %swap3A_31], %add3A_30 {strides = array<i32>} : memref<2000x128xf32, #tpu.memory_space<vmem>>, vector<2000x128xf32>,
    return
  }
  func.func @transform_0(%arg0: i32) -> (i32, i32) {
    %c0_i32 = arith.constant 0 : i32
    %c0_i32_0 = arith.constant 0 : i32
    return %arg0, %c0_i32 : i32, i32
  }
  func.func @transform_1(%arg0: i32) -> (i32, i32, i32) {
    %c0_i32 = arith.constant 0 : i32
    %c0_i32_0 = arith.constant 0 : i32
    %c0_i32_1 = arith.constant 0 : i32
    return %c0_i32, %arg0, %c0_i32_0 : i32, i32, i32
  }
  func.func @transform_2(%arg0: i32) -> (i32, i32, i32) {
    %c0_i32 = arith.constant 0 : i32
    %c0_i32_0 = arith.constant 0 : i32
    %c0_i32_1 = arith.constant 0 : i32
    return %c0_i32, %arg0, %c0_i32_0 : i32, i32, i32
  }
  func.func @transform_3(%arg0: i32) -> (i32, i32) {
    %c0_i32 = arith.constant 0 : i32
    %c0_i32_0 = arith.constant 0 : i32
    %c0_i32_1 = arith.constant 0 : i32
    return %c0_i32, %c0_i32_0 : i32, i32
  }
  func.func @transform_4(%arg0: i32) -> (i32, i32) {
    %c0_i32 = arith.constant 0 : i32
    %c0_i32_0 = arith.constant 0 : i32
    return %arg0, %c0_i32 : i32, i32
  }
}

</mosaic_0001>

<sc_bundles>
// kernel: kernel.5.cloned.1.call-start
scs
__scs_entry_jumppad:
0x0: {  	(pc) =	sbr.rel $0x88, $3  }
0x1: {  	(tag) =	ssettag $0x0;
	lr =	simm.s32 $0x1  }
0x2: {  	[smem:$0x3F9D] =	sst lr;
	_ =	strace $0xD0000000  }
0x3: {  	_ = 	snop  }
0x4: {  	_ = 	snop  }
0x5: {  	_ = 	snop  }
0x6: {  	_ = 	snop  }
0x7: {  	_ = 	snop  }
__scs_overlays_trampoline_lowered:
0x8: {  	[smem:$0x3FAC] =	sst s0  }
0x9: {  	[smem:$0x3FAD] =	sst s1  }
0xa: {  	[smem:$0x3FAE] =	sst s2  }
0xb: {  	[smem:$0x3FAF] =	sst s3  }
0xc: {  	[smem:$0x3FB0] =	sst s4  }
0xd: {  	[smem:$0x3FB1] =	sst s5  }
0xe: {  	[smem:$0x3FB2] =	sst s6  }
0xf: {  	[smem:$0x3FB3] =	sst s7  }
0x10: {  	[smem:$0x3FB4] =	sst s8  }
0x11: {  	[smem:$0x3FB5] =	sst s9;
	s0 =	simm.s32 @!p0 $0x0  }
0x12: {  	s1 =	sld [smem:$0x3F9B];
	s0 =	simm.s32 @p0 $0x1  }
0x13: {  	[smem:$0x3FB6] =	sst s0;
	s0 =	simm.s32 @!p1 $0x0  }
0x14: {  	s2 =	sld [smem:$0x3F9A];
	s0 =	simm.s32 @p1 $0x1  }
0x15: {  	[smem:$0x3FB7] =	sst s0;
	s0 =	simm.s32 @!p2 $0x0  }
0x16: {  	s3 =	sld [smem:$0x3FDB];
	s0 =	simm.s32 @p2 $0x1  }
0x17: {  	s4 =	simm.s32 $0x1BF5;
	[smem:$0x3FB9] =	sst s0  }
0x18: {  	s0 =	sld [smem:$0x3F9C];
	_ =	swait.ge [sflag:s4], $0x0  }
0x19: {  	s7 =	sld [smem:$0x3F9D]  }
0x1a: {  	s8 =	sadd.s32 $0xFFFFE003, lr  }
0x1b: {  	s9 =	sadd.s32 $0xFFFFFEF7, lr;
	s5 =	simm.s32 $0xFFFFFFFF;
	p2 =	slt.u32 s8, $0xFFFFF086  }
0x1c: {  	p1 =	slt.u32 s9, $0xF7A;
	s5 =	simm.s32 @!p2 $0x0  }
0x1d: {  	s5 =	simm.s32 @p1 $0x1;
	p0 =	seq.s32 s7, s2  }
0x1e: {  	s7 =	smul.u32 @!p0 $0xF7A, s2;
	p2 =	seq.s32 @!p0 s5, $0x0  }
0x1f: {  	s9 =	smul.u32 $0xF7A, s1;
	s8 =	simm.s32 @!p0 $0x1BF5;
	p2 =	por !p2, p0  }
0x20: {  	[sflag:s8] =	ssyncset.s32 @!p0 $0xFFFFF086;
	s6 =	sadd.s32 @!p0 s3, s7;
	s7 =	simm.s32 @!p0 $0x108  }
0x21: {  	s3 =	sadd.s32 s3, s9;
	s6 =	sadd.s32 @!p0 $0x88, s6;
	s7 =	simm.s32 @p2 $0x1082  }
0x22: {  	[simem:s7], [sflag:s8] =	dma.local @!p0 [hbm:s6], $0xF7A  }
0x23: {  	s9 =	sor.u32 $0xD0000000, s2;
	s6 =	simm.s32 $0x108;
	_ =	swait.ge @!p0 [sflag:s8], $0x0  }
0x24: {  	s3 =	sadd.s32 $0x88, s3;
	s6 =	simm.s32 @!p1 $0x1082;
	[sflag:s4] =	ssyncset.s32 $0xFFFFF086  }
0x25: {  	[simem:s6], [sflag:s4] =	dma.local [hbm:s3], $0xF7A  }
0x26: {  	[smem:$0x3F9D] =	sst s1;
	(tag) =	ssettag s2;
	_ =	strace s9  }
0x27: {  	s1 =	sld [smem:$0x3FAD]  }
0x28: {  	s2 =	sld [smem:$0x3FAE]  }
0x29: {  	s4 =	sld [smem:$0x3FB0]  }
0x2a: {  	p0 =	seq.s32 s5, $0x0;
	s5 =	sld [smem:$0x3FB1]  }
0x2b: {  	s6 =	sld [smem:$0x3FB2]  }
0x2c: {  	s7 =	sld [smem:$0x3FB3]  }
0x2d: {  	s3 =	simm.s32 $0x108;
	s8 =	sld [smem:$0x3FB4]  }
0x2e: {  	s3 =	simm.s32 @!p0 $0x1082;
	s9 =	sld [smem:$0x3FB5]  }
0x2f: {  	lr =	sadd.s32 s0, s3;
	s0 =	sld [smem:$0x3FAC]  }
0x30: {  	s3 =	sld [smem:$0x3FAF]  }
0x31: {  	[smem:$0x3FB8] =	sst s10  }
0x32: {  	s10 =	sld [smem:$0x3FB6];
	_ =	sdelay $0x3  }
0x33: {  	p0 =	seq.s32 s10, $0x1;
	s10 =	sld [smem:$0x3FB8];
	_ =	sdelay $0x3  }
0x34: {  	[smem:$0x3FB8] =	sst s10  }
0x35: {  	s10 =	sld [smem:$0x3FB7];
	_ =	sdelay $0x3  }
0x36: {  	p1 =	seq.s32 s10, $0x1;
	s10 =	sld [smem:$0x3FB8];
	_ =	sdelay $0x3  }
0x37: {  	[smem:$0x3FB8] =	sst s10  }
0x38: {  	s10 =	sld [smem:$0x3FB9]  }
0x39: {  	_ = 	snop;
	(pc) =	sbr.ind lr, $3  }
0x3a: {  	_ = 	snop  }
0x3b: {  	_ = 	snop  }
0x3c: {  	p2 =	seq.s32 s10, $0x1;
	s10 =	sld [smem:$0x3FB8]  }
0x3d: {  	_ =	shalt  }
0x3e: {  	_ =	shalt  }
0x3f: {  	_ =	shalt  }
0x40: {  	_ =	shalt  }
0x41: {  	_ =	shalt  }
0x42: {  	_ =	shalt  }
0x43: {  	_ =	shalt  }
0x44: {  	_ =	shalt  }
0x45: {  	_ =	shalt  }
0x46: {  	_ =	shalt  }
0x47: {  	_ =	shalt  }
0x48: {  	_ =	shalt  }
0x49: {  	_ =	shalt  }
0x4a: {  	_ =	shalt  }
0x4b: {  	_ =	shalt  }
0x4c: {  	_ =	shalt  }
0x4d: {  	_ =	shalt  }
0x4e: {  	_ =	shalt  }
0x4f: {  	_ =	shalt  }
0x50: {  	_ =	shalt  }
0x51: {  	_ =	shalt  }
0x52: {  	_ =	shalt  }
0x53: {  	_ =	shalt  }
0x54: {  	_ =	shalt  }
0x55: {  	_ =	shalt  }
0x56: {  	_ =	shalt  }
0x57: {  	_ =	shalt  }
0x58: {  	_ =	shalt  }
0x59: {  	_ =	shalt  }
0x5a: {  	_ =	shalt  }
0x5b: {  	_ =	shalt  }
0x5c: {  	_ =	shalt  }
0x5d: {  	_ =	shalt  }
0x5e: {  	_ =	shalt  }
0x5f: {  	_ =	shalt  }
0x60: {  	_ =	shalt  }
0x61: {  	_ =	shalt  }
0x62: {  	_ =	shalt  }
0x63: {  	_ =	shalt  }
0x64: {  	_ =	shalt  }
0x65: {  	_ =	shalt  }
0x66: {  	_ =	shalt  }
0x67: {  	_ =	shalt  }
0x68: {  	_ =	shalt  }
0x69: {  	_ =	shalt  }
0x6a: {  	_ =	shalt  }
0x6b: {  	_ =	shalt  }
0x6c: {  	_ =	shalt  }
0x6d: {  	_ =	shalt  }
0x6e: {  	_ =	shalt  }
0x6f: {  	_ =	shalt  }
0x70: {  	_ =	shalt  }
0x71: {  	_ =	shalt  }
0x72: {  	_ =	shalt  }
0x73: {  	_ =	shalt  }
0x74: {  	_ =	shalt  }
0x75: {  	_ =	shalt  }
0x76: {  	_ =	shalt  }
0x77: {  	_ =	shalt  }
0x78: {  	_ =	shalt  }
0x79: {  	_ =	shalt  }
0x7a: {  	_ =	shalt  }
0x7b: {  	_ =	shalt  }
0x7c: {  	_ =	shalt  }
0x7d: {  	_ =	shalt  }
0x7e: {  	_ =	shalt  }
0x7f: {  	_ =	shalt  }
0x80: {  	_ =	shalt  }
0x81: {  	_ =	shalt  }
0x82: {  	_ =	shalt  }
0x83: {  	_ =	shalt  }
0x84: {  	_ =	shalt  }
0x85: {  	_ =	shalt  }
0x86: {  	_ =	shalt  }
0x87: {  	_ =	shalt  }
.Lfunc_end0:
.L_simem_size_0:
called_computation_lowered:
.L_overlay_start_0:
0x88: {  	s2 =	sld [smem:$0x3FD9]  }
0x89: {  	s3 =	sld [smem:$0x3FFE];
	_ =	sdelay $0x1  }
0x8a: {  	s1 =	srdreg.scid  }
0x8b: {  	s0 =	sand.u32 $0x1, s1  }
0x8c: {  	s17 =	sshll.u32 s0, $0xA;
	s2 =	sadd.s32 s3, s2  }
0x8d: {  	s2 =	sadd.s32 s2, s17  }
0x8e: {  	[smem:$0x3FC4] =	sst s2  }
0x8f: {  	_ = 	snop  }
0x90: {  	s2 =	sld [smem:$0x3FC9]  }
0x91: {  	s18 =	sld [smem:$0x3FD0];
	(tm) =	ssettm $0x1  }
0x92: {  	s4 =	sld [smem:$0x3FFB];
	_ =	sdelay $0x3  }
0x93: {  	_ =	strace s4  }
0x94: {  	s4 =	sld [smem:$0x3FFC];
	_ =	sdelay $0x3  }
0x95: {  	_ =	strace s4  }
0x96: {  	s4 =	sld [smem:$0x3FFD];
	_ =	sdelay $0x3  }
0x97: {  	_ =	strace s4  }
0x98: {  	_ =	strace $0x8FFFFFFF  }
0x99: {  	s19 =	sld [smem:$0x3FDB];
	_ =	sdelay $0x1  }
0x9a: {  	s5 =	simm.s32 $_scs_section_size  }
0x9b: {  	s6 =	simm.s32 $_size__tile_overlayer_lowered;
	s7 =	simm.s32 $_tile_overlayer_lowered  }
0x9c: {  	s22 =	simm.s32 $0x1BFF;
	s21 =	sshll.u32 s7, $0x1;
	s4 =	sadd.s32 s5, s19  }
0x9d: {  	s8 =	simm.s32 $0x0;
	s20 =	sshll.u32 s6, $0x1;
	s6 =	sadd.s32 s21, s4  }
0x9e: {  	[timem:s8], [sflag:s22] =	dma.local [hbm:s6], s20  }
0x9f: {  	_ =	swait.ge [sflag:s22], s20  }
0xa0: {  	s5 =	ssub.s32 $0x0, s20;
	[sflag:s22] =	ssyncset.done $0x0  }
0xa1: {  	[sflag:s22] =	ssyncadd.s32 s5;
	_ =	sdelay $0x1  }
0xa2: {  	s23 =	simm.s32 $0x1B8B  }
0xa3: {  	_ =	swait.ge [sflag:s23], $0x1  }
0xa4: {  	[sflag:s23] =	ssyncset.done $0x0  }
0xa5: {  	s25 =	simm.s32 $0x1B8E;
	s24 =	sld [smem:$0x3FFE];
	[sflag:s23] =	ssyncadd.s32 $0xFFFFFFFF  }
0xa6: {  	s26 =	simm.s32 $execute0_lowered;
	[smem:$0x3FD2] =	sst s25  }
0xa7: {  	s6 =	sshll.u32 s26, $0x1;
	_ =	strace $0x80000046;
	[dreg:$0x1] =	wrdreg $0xFFFFFFFF  }
0xa8: {  	s28 =	simm.s32 $_size_execute0_lowered;
	s4 =	sadd.s32 s4, s6;
	[dreg:$0x0] =	wrdreg $0x0  }
0xa9: {  	s6 =	sshll.u32 s28, $0x1;
	[dreg:$0x2] =	wrdreg s4  }
0xaa: {  	[dreg:$0x3] =	wrdreg s6  }
0xab: {  	[dreg:$0x4] =	wrdreg $0xC0  }
0xac: {  	_ =	task [dreg:s8], $0x5FFFF  }
0xad: {  	[dreg:$0x1] =	wrdreg $0xFFFFFFFF  }
0xae: {  	[dreg:$0x0] =	wrdreg $0x60  }
0xaf: {  	[dreg:$0x2] =	wrdreg s2  }
0xb0: {  	[dreg:$0x3] =	wrdreg s24  }
0xb1: {  	[dreg:$0x4] =	wrdreg s18  }
0xb2: {  	[dreg:$0x5] =	wrdreg $0x0  }
0xb3: {  	[dreg:$0x6] =	wrdreg $0x140000  }
0xb4: {  	[dreg:$0x7] =	wrdreg $0x9  }
0xb5: {  	_ =	task.clear_ibuf [dreg:s8], $0x8FFFF;
	_ =	strace $0x90000046  }
0xb6: {  	s29 =	simm.s32 $0x9;
	_ =	strace $0x80000048  }
0xb7: {  	_ =	swait.ge [sflag:s29], $0x1  }
0xb8: {  	[sflag:s29] =	ssyncadd.s32 $0xFFFFFFFF  }
0xb9: {  	_ =	strace $0x90000048  }
0xba: {  	_ =	sfence  }
0xbb: {  	s30 =	sld [smem:$0x0];
	_ =	sdelay $0x2  }
0xbc: {  	s31 =	sshll.u32 s1, $0xD;
	s1 =	sshrl.u32 s1, $0x2  }
0xbd: {  	s3 =	sand.u32 $0x4000, s31;
	s1 =	sadd.s32 s1, s30  }
0xbe: {  	s0 =	sor.u32 s3, s0;
	s1 =	sshll.u32 s1, $0x11  }
0xbf: {  	s0 =	sor.u32 s1, s0  }
0xc0: {  	s0 =	sadd.s32 $0x8F2B, s0  }
0xc1: {  	[sflag:s0] =	ssyncadd.remote.s32 $0x1  }
0xc2: {  	_ =	sfence.sel $0xFFFF  }
0xc3: {  	[dreg:$0x0] =	wrdreg $0xFFFFFFFF;
	(pc) =	sbr.abs _section_cstart, $3  }
0xc4: {  	[dreg:$0x1] =	wrdreg $0xFFFFFFFF  }
0xc5: {  	_ =	task.clear_ibuf [dreg:s8], $0x2FFFF;
	_ =	strace $0x9FFFFFFF  }
0xc6: {  	(tm) =	ssettm $0x7FFFFFFF  }
0xc7: {  	_ =	shalt  }
tec
execute0_lowered:
.L_overlay_start_1:
0x0: {  	(tag) =	ssettag $0x1  }
0x1: {  	s0 =	rddreg [dreg:$0x0]  }
0x2: {  	s2 =	rddreg [dreg:$0x1]  }
0x3: {  	s1 =	srdreg.scid;
	s8 =	rddreg [dreg:$0x2]  }
0x4: {  	s13 =	stileid.u32;
	s3 =	rddreg [dreg:$0x3];
	s28 =	simm.s32 $0x1AA00  }
0x5: {  	s29 =	simm.s32 $0x7;
	s30 =	simm.s32 $0x1FA80;
	s26 =	smul.u32 $0x14000, s13  }
0x6: {  	s31 =	simm.s32 $0x14280;
	s1 =	sand.u32 $0x1, s1;
	s11 =	smul.u32 $0x500, s13  }
0x7: {  	s7 =	sshll.u32 s13, $0x7;
	s14 =	smul.u32 $0x50000, s13;
	s4 =	sshll.u32 s1, $0x4  }
0x8: {  	s7 =	sand.u32 $0x380, s7;
	s10 =	smul.u32 $0x140000, s1;
	s9 =	sor.u32 s13, s4  }
0x9: {  	s4 =	rddreg [dreg:$0x4];
	s16 =	sshrl.u32 s14, $0x2;
	s5 =	sshrl.u32 s9, $0x3  }
0xa: {  	s9 =	sshll.u32 s9, $0xB;
	s6 =	smul.u32 $0x13C00, s5;
	s5 =	simm.s32 $0x0  }
0xb: {  	s8 =	sadd.s32 s8, s9;
	s9 =	simm.s32 $0x1;
	[smem:$0x7FF] =	sst s5  }
0xc: {  	s6 =	sor.u32 s7, s6;
	_ =	strace $0x80000047;
	s7 =	sadd.s32 s26, s10  }
0xd: {  	s10 =	sshll.u32 s1, $0x7;
	s1 =	ssub.s32 $0x2, s1;
	s6 =	sshrl.u32 s6, $0x3  }
0xe: {  	[dreg:$0x10] =	wrdreg s8;
	s15 =	sshrl.u32 s1, $0x1;
	s12 =	sadd.s32 s6, s2  }
0xf: {  	s6 =	sshrl.u32 s7, $0x3;
	s7 =	sor.u32 s10, s11;
	s10 =	smul.u32 $0x280, s13  }
0x10: {  	s1 =	ssub.s32 s1, s15;
	s7 =	sshrl.u32 s7, $0x3;
	s13 =	sadd.s32 s6, s2  }
0x11: {  	s6 =	sadd.s32 s16, s3;
	s2 =	sadd.s32 s7, s2;
	s17 =	sor.u32 $0x50, s10  }
0x12: {  	s15 =	sadd.s32 $0xA0, s10;
	s7 =	sadd.s32 s10, s4;
	s20 =	sadd.s32 $0xF0, s10  }
0x13: {  	s23 =	sadd.s32 $0x140, s10;
	s16 =	sadd.s32 $0x190, s10;
	s14 =	sshll.u32 s17, $0x7  }
0x14: {  	s18 =	sshll.u32 s15, $0x7;
	s11 =	sadd.s32 s17, s4;
	s21 =	sadd.s32 s15, s4  }
0x15: {  	s22 =	sshll.u32 s20, $0x7;
	s24 =	sshll.u32 s23, $0x7;
	[dreg:$0x7] =	wrdreg s11  }
0x16: {  	s26 =	sshll.u32 s16, $0x7;
	s17 =	sadd.s32 s23, s4;
	[dreg:$0x9] =	wrdreg s21  }
0x17: {  	s2 =	sadd.s32 $0xAC00, s2;
	s15 =	simm.s32 $0x2;
	[dreg:$0xd] =	wrdreg s17  }
0x18: {  	s14 =	sadd.s32 s14, s3;
	s19 =	sadd.s32 s18, s3;
	[dreg:$0x17] =	wrdreg s2  }
0x19: {  	s11 =	sadd.s32 s20, s4;
	s25 =	sadd.s32 s24, s3;
	[dreg:$0x6] =	wrdreg s14  }
0x1a: {  	s18 =	sadd.s32 s16, s4;
	s2 =	simm.s32 $0x28;
	[dreg:$0x8] =	wrdreg s19  }
0x1b: {  	s16 =	simm.s32 $0x4;
	s17 =	simm.s32 $0x16A80;
	[dreg:$0xb] =	wrdreg s11  }
0x1c: {  	s14 =	sadd.s32 s22, s3;
	[dreg:$0xc] =	wrdreg s25;
	s11 =	sadd.s32 s26, s3  }
0x1d: {  	[dreg:$0xf] =	wrdreg s18;
	s19 =	sadd.s32 $0x1E0, s10;
	s10 =	sadd.s32 $0x230, s10  }
0x1e: {  	s25 =	sadd.s32 $0xE00, s12;
	s26 =	sadd.s32 $0xB600, s13;
	s12 =	simm.s32 $0x1D200  }
0x1f: {  	s13 =	simm.s32 $0x1E600;
	s18 =	simm.s32 $0x5;
	[dreg:$0xa] =	wrdreg s14  }
0x20: {  	[dreg:$0xe] =	wrdreg s11;
	s20 =	sshll.u32 s19, $0x7;
	s21 =	sshll.u32 s10, $0x7  }
0x21: {  	s22 =	sadd.s32 s19, s4;
	s24 =	sadd.s32 s10, s4;
	[dreg:$0x15] =	wrdreg s25  }
0x22: {  	[dreg:$0x16] =	wrdreg s26;
	s26 =	smax.u32 s1, $0x1;
	s1 =	simm.s32 $0x16A00  }
0x23: {  	s10 =	simm.s32 $0x3;
	s11 =	simm.s32 $0x50;
	[dreg:$0x12] =	wrdreg s22  }
0x24: {  	s14 =	simm.s32 $0x1FA00;
	s8 =	sadd.s32 s20, s3;
	[dreg:$0x14] =	wrdreg s24  }
0x25: {  	s19 =	simm.s32 $0x6;
	s23 =	sadd.s32 s21, s3;
	[dreg:$0x11] =	wrdreg s8  }
0x26: {  	v0 =	vimm.f32 $1.000000000e+00;
	v1 =	vimm.f32 $0.0e+00;
	s20 =	simm.s32 $0x1A800;
	[dreg:$0x13] =	wrdreg s23;
	s8 =	simm.s32 $0x1BE00  }
.LBB2_1:
0x27: {  	[tilespmem:$0x1FA00] =	vst v0  }
0x28: {  	[tilespmem:$0x1FA80] =	vst v1  }
0x29: {  	[tilespmem:$0x1FA10] =	vst v0  }
0x2a: {  	[tilespmem:$0x1FA90] =	vst v1  }
0x2b: {  	[tilespmem:$0x1FA20] =	vst v0  }
0x2c: {  	[tilespmem:$0x1FAA0] =	vst v1  }
0x2d: {  	[tilespmem:$0x1FA30] =	vst v0  }
0x2e: {  	[tilespmem:$0x1FAB0] =	vst v1  }
0x2f: {  	[tilespmem:$0x1FA40] =	vst v0  }
0x30: {  	[tilespmem:$0x1FAC0] =	vst v1;
	s21 =	simm.s32 $0x0;
	s22 =	simm.s32 $0x200  }
.LBB2_2:
0x31: {  	p0 =	sne.s32 s22, $0x9E00;
	[tilespmem:s21+$0x1AA70] =	vst v1  }
0x32: {  	[tilespmem:s21+$0x1AA00] =	vst v1  }
0x33: {  	[tilespmem:s21+$0x1AA10] =	vst v1  }
.Ltmp0:
0x34: {  	[tilespmem:s21+$0x1AA20] =	vst v1;
	(pc) =	sbr.rel @p0 .LBB2_2-.Ltmp0, $4  }
0x35: {  	[tilespmem:s21+$0x1AA30] =	vst v1  }
0x36: {  	[tilespmem:s21+$0x1AA40] =	vst v1  }
0x37: {  	[tilespmem:s21+$0x1AA50] =	vst v1  }
0x38: {  	[tilespmem:s21+$0x1AA60] =	vst v1;
	s21 =	sshra.s32 s22, $0x2;
	s22 =	sadd.s32 $0x200, s22  }
0x39: {  	[tilespmem:s21+$0x1AA70] =	vst v1  }
0x3a: {  	[tilespmem:s21+$0x1AA00] =	vst v1  }
0x3b: {  	[tilespmem:s21+$0x1AA10] =	vst v1  }
0x3c: {  	[tilespmem:s21+$0x1AA20] =	vst v1  }
0x3d: {  	[tilespmem:s21+$0x1AA30] =	vst v1  }
0x3e: {  	[tilespmem:s21+$0x1AA40] =	vst v1  }
0x3f: {  	[tilespmem:s21+$0x1AA50] =	vst v1  }
0x40: {  	[tilespmem:s21+$0x1AA60] =	vst v1  }
0x41: {  	[spmem:s6] =	stream.linear.scatter [tilespmem:s28], [sflag:$0x7], $0x2800, $0x38;
	[tilespmem:$0x1FB00] =	vst v63  }
0x42: {  	_ =	swait.ge [sflag:s29], $0x2800  }
0x43: {  	[sflag:s29] =	ssyncset.done $0x0  }
0x44: {  	[sflag:s29] =	ssyncadd.s32 $0xFFFFD800  }
0x45: {  	[spmem:s7] =	stream.linear.scatter [tilespmem:s30], [sflag:$0x7], $0x50, $0x38;
	[tilespmem:$0x1FB00] =	vst v63  }
0x46: {  	_ =	swait.ge [sflag:s29], $0x50  }
0x47: {  	[sflag:s29] =	ssyncset.done $0x0  }
0x48: {  	s23 =	rddreg [dreg:$0x6];
	[sflag:s29] =	ssyncadd.s32 $0xFFFFFFB0  }
0x49: {  	[spmem:s23] =	stream.linear.scatter [tilespmem:s28], [sflag:$0x7], $0x2800, $0x38;
	[tilespmem:$0x1FB00] =	vst v63  }
0x4a: {  	_ =	swait.ge [sflag:s29], $0x2800  }
0x4b: {  	[sflag:s29] =	ssyncset.done $0x0  }
0x4c: {  	s24 =	rddreg [dreg:$0x7];
	[sflag:s29] =	ssyncadd.s32 $0xFFFFD800  }
0x4d: {  	[spmem:s24] =	stream.linear.scatter [tilespmem:s30], [sflag:$0x7], $0x50, $0x38;
	[tilespmem:$0x1FB00] =	vst v63  }
0x4e: {  	_ =	swait.ge [sflag:s29], $0x50  }
0x4f: {  	[sflag:s29] =	ssyncset.done $0x0  }
0x50: {  	s25 =	rddreg [dreg:$0x8];
	[sflag:s29] =	ssyncadd.s32 $0xFFFFFFB0  }
0x51: {  	[spmem:s25] =	stream.linear.scatter [tilespmem:s28], [sflag:$0x7], $0x2800, $0x38;
	[tilespmem:$0x1FB00] =	vst v63  }
0x52: {  	_ =	swait.ge [sflag:s29], $0x2800  }
0x53: {  	[sflag:s29] =	ssyncset.done $0x0  }
0x54: {  	s22 =	rddreg [dreg:$0x9];
	[sflag:s29] =	ssyncadd.s32 $0xFFFFD800  }
0x55: {  	[spmem:s22] =	stream.linear.scatter [tilespmem:s30], [sflag:$0x7], $0x50, $0x38;
	[tilespmem:$0x1FB00] =	vst v63  }
0x56: {  	_ =	swait.ge [sflag:s29], $0x50  }
0x57: {  	[sflag:s29] =	ssyncset.done $0x0  }
0x58: {  	s23 =	rddreg [dreg:$0xa];
	[sflag:s29] =	ssyncadd.s32 $0xFFFFFFB0  }
0x59: {  	[spmem:s23] =	stream.linear.scatter [tilespmem:s28], [sflag:$0x7], $0x2800, $0x38;
	[tilespmem:$0x1FB00] =	vst v63  }
0x5a: {  	_ =	swait.ge [sflag:s29], $0x2800  }
0x5b: {  	[sflag:s29] =	ssyncset.done $0x0  }
0x5c: {  	s24 =	rddreg [dreg:$0xb];
	[sflag:s29] =	ssyncadd.s32 $0xFFFFD800  }
0x5d: {  	[spmem:s24] =	stream.linear.scatter [tilespmem:s30], [sflag:$0x7], $0x50, $0x38;
	[tilespmem:$0x1FB00] =	vst v63  }
0x5e: {  	_ =	swait.ge [sflag:s29], $0x50  }
0x5f: {  	[sflag:s29] =	ssyncset.done $0x0  }
0x60: {  	s25 =	rddreg [dreg:$0xc];
	[sflag:s29] =	ssyncadd.s32 $0xFFFFFFB0  }
0x61: {  	[spmem:s25] =	stream.linear.scatter [tilespmem:s28], [sflag:$0x7], $0x2800, $0x38;
	[tilespmem:$0x1FB00] =	vst v63  }
0x62: {  	_ =	swait.ge [sflag:s29], $0x2800  }
0x63: {  	[sflag:s29] =	ssyncset.done $0x0  }
0x64: {  	s22 =	rddreg [dreg:$0xd];
	[sflag:s29] =	ssyncadd.s32 $0xFFFFD800  }
0x65: {  	[spmem:s22] =	stream.linear.scatter [tilespmem:s30], [sflag:$0x7], $0x50, $0x38;
	[tilespmem:$0x1FB00] =	vst v63  }
0x66: {  	_ =	swait.ge [sflag:s29], $0x50  }
0x67: {  	[sflag:s29] =	ssyncset.done $0x0  }
0x68: {  	s23 =	rddreg [dreg:$0xe];
	[sflag:s29] =	ssyncadd.s32 $0xFFFFFFB0  }
0x69: {  	[spmem:s23] =	stream.linear.scatter [tilespmem:s28], [sflag:$0x7], $0x2800, $0x38;
	[tilespmem:$0x1FB00] =	vst v63  }
0x6a: {  	_ =	swait.ge [sflag:s29], $0x2800  }
0x6b: {  	[sflag:s29] =	ssyncset.done $0x0  }
0x6c: {  	s24 =	rddreg [dreg:$0xf];
	[sflag:s29] =	ssyncadd.s32 $0xFFFFD800  }
0x6d: {  	[spmem:s24] =	stream.linear.scatter [tilespmem:s30], [sflag:$0x7], $0x50, $0x38;
	[tilespmem:$0x1FB00] =	vst v63  }
0x6e: {  	_ =	swait.ge [sflag:s29], $0x50  }
0x6f: {  	[sflag:s29] =	ssyncset.done $0x0  }
0x70: {  	s25 =	rddreg [dreg:$0x11];
	[sflag:s29] =	ssyncadd.s32 $0xFFFFFFB0  }
0x71: {  	[spmem:s25] =	stream.linear.scatter [tilespmem:s28], [sflag:$0x7], $0x2800, $0x38;
	[tilespmem:$0x1FB00] =	vst v63  }
0x72: {  	_ =	swait.ge [sflag:s29], $0x2800  }
0x73: {  	[sflag:s29] =	ssyncset.done $0x0  }
0x74: {  	s22 =	rddreg [dreg:$0x12];
	[sflag:s29] =	ssyncadd.s32 $0xFFFFD800  }
0x75: {  	[spmem:s22] =	stream.linear.scatter [tilespmem:s30], [sflag:$0x7], $0x50, $0x38;
	[tilespmem:$0x1FB00] =	vst v63  }
0x76: {  	_ =	swait.ge [sflag:s29], $0x50  }
0x77: {  	[sflag:s29] =	ssyncset.done $0x0  }
0x78: {  	s23 =	rddreg [dreg:$0x13];
	[sflag:s29] =	ssyncadd.s32 $0xFFFFFFB0  }
0x79: {  	[spmem:s23] =	stream.linear.scatter [tilespmem:s28], [sflag:$0x7], $0x2800, $0x38;
	[tilespmem:$0x1FB00] =	vst v63  }
0x7a: {  	_ =	swait.ge [sflag:s29], $0x2800  }
0x7b: {  	[sflag:s29] =	ssyncset.done $0x0  }
0x7c: {  	s24 =	rddreg [dreg:$0x14];
	[sflag:s29] =	ssyncadd.s32 $0xFFFFD800  }
0x7d: {  	[spmem:s24] =	stream.linear.scatter [tilespmem:s30], [sflag:$0x7], $0x50, $0x38;
	[tilespmem:$0x1FB00] =	vst v63  }
0x7e: {  	_ =	swait.ge [sflag:s29], $0x50  }
0x7f: {  	s22 =	simm.s32 $0x80;
	[sflag:s29] =	ssyncset.done $0x0  }
0x80: {  	s23 =	simm.s32 $0x400;
	s25 =	rddreg [dreg:$0x15];
	[sflag:s29] =	ssyncadd.s32 $0xFFFFFFB0  }
0x81: {  	[tilespmem:s31], [sflag:$0x7] =	stream.strided.gather [hbm4b:s25+s22], $0x2780, s23, s22, $0x38;
	[tilespmem:$0x1FB00] =	vst v63  }
0x82: {  	_ =	swait.ge [sflag:s29], $0x2780  }
0x83: {  	[sflag:s29] =	ssyncset.done $0x0  }
0x84: {  	s22 =	simm.s32 $0x0;
	s23 =	rddreg [dreg:$0x10];
	[sflag:s29] =	ssyncadd.s32 $0xFFFFD880  }
0x85: {  	[tilespmem:s1], [sflag:$0x7] =	stream.linear.gather [hbm4b:s23+s22], $0x3E80, $0x38;
	[tilespmem:$0x1FB00] =	vst v63  }
0x86: {  	_ =	swait.ge [sflag:s29], $0x3E80  }
0x87: {  	[sflag:s29] =	ssyncset.done $0x0  }
0x88: {  	[sflag:s29] =	ssyncadd.s32 $0xFFFFC180  }
0x89: {  	[bflag:$0x0] =	sbarrier.arrive $0xFFFF  }
0x8a: {  	[tilespmem:s28], [sflag:$0x1] =	stream.indirect.gather [hbm4b:s0+s2], $0x80, s31, s2, $0xb8;
	[tilespmem:$0x1FB00] =	vst v63  }
0x8b: {  	s24 =	simm.s32 $0x142A8  }
0x8c: {  	[tilespmem:s8], [sflag:$0x3] =	stream.indirect.gather [hbm4b:s0+s2], $0x80, s24, s2, $0xb8;
	[tilespmem:$0x1FB00] =	vst v63  }
0x8d: {  	_ =	swait.ge [sflag:s9], $0x1400  }
0x8e: {  	[sflag:s9] =	ssyncset.done $0x0  }
0x8f: {  	[sflag:s9] =	ssyncadd.s32 $0xFFFFEC00  }
0x90: {  	_ =	swait.ge [sflag:s10], $0x1400  }
0x91: {  	[sflag:s10] =	ssyncset.done $0x0  }
0x92: {  	[sflag:s10] =	ssyncadd.s32 $0xFFFFEC00  }
0x93: {  	[spmem:s3] =	stream.indirect.scatter.add.f32 [tilespmem:s28], [sflag:$0x5], $0x80, s1, s11, $0xb8;
	[tilespmem:$0x1FB00] =	vst v63  }
0x94: {  	s25 =	simm.s32 $0x142D0  }
0x95: {  	[tilespmem:s12], [sflag:$0x2] =	stream.indirect.gather [hbm4b:s0+s2], $0x80, s25, s2, $0xb8;
	[tilespmem:$0x1FB00] =	vst v63  }
0x96: {  	s22 =	simm.s32 $0x142F8  }
0x97: {  	[tilespmem:s13], [sflag:$0x4] =	stream.indirect.gather [hbm4b:s0+s2], $0x80, s22, s2, $0xb8;
	[tilespmem:$0x1FB00] =	vst v63  }
0x98: {  	_ = 	snop  }
0x99: {  	[spmem:s4] =	stream.indirect.scatter.add.f32 [tilespmem:s14], [sflag:$0x7], $0x1, s1, s11, $0xb8;
	[tilespmem:$0x1FB00] =	vst v63  }
0x9a: {  	_ =	swait.ge [sflag:s29], $0x50  }
0x9b: {  	[sflag:s29] =	ssyncset.done $0x0  }
0x9c: {  	[sflag:s29] =	ssyncadd.s32 $0xFFFFFFB0  }
0x9d: {  	_ =	swait.ge [sflag:s15], $0x1400  }
0x9e: {  	[sflag:s15] =	ssyncset.done $0x0  }
0x9f: {  	[sflag:s15] =	ssyncadd.s32 $0xFFFFEC00  }
0xa0: {  	_ =	swait.ge [sflag:s16], $0x1400  }
0xa1: {  	[sflag:s16] =	ssyncset.done $0x0  }
0xa2: {  	[sflag:s16] =	ssyncadd.s32 $0xFFFFEC00  }
0xa3: {  	[spmem:s3] =	stream.indirect.scatter.add.f32 [tilespmem:s12], [sflag:$0x6], $0x80, s17, s11, $0xb8;
	[tilespmem:$0x1FB00] =	vst v63  }
0xa4: {  	_ =	swait.ge [sflag:s18], $0x2800  }
0xa5: {  	[sflag:s18] =	ssyncset.done $0x0  }
0xa6: {  	s23 =	simm.s32 $0x14320;
	[sflag:s18] =	ssyncadd.s32 $0xFFFFD800  }
0xa7: {  	[tilespmem:s28], [sflag:$0x1] =	stream.indirect.gather [hbm4b:s0+s2], $0x80, s23, s2, $0xb8;
	[tilespmem:$0x1FB00] =	vst v63  }
0xa8: {  	s24 =	simm.s32 $0x14348  }
0xa9: {  	[tilespmem:s8], [sflag:$0x3] =	stream.indirect.gather [hbm4b:s0+s2], $0x80, s24, s2, $0xb8;
	[tilespmem:$0x1FB00] =	vst v63  }
0xaa: {  	_ = 	snop  }
0xab: {  	[spmem:s4] =	stream.indirect.scatter.add.f32 [tilespmem:s14], [sflag:$0x7], $0x1, s17, s11, $0xb8;
	[tilespmem:$0x1FB00] =	vst v63  }
0xac: {  	_ =	swait.ge [sflag:s29], $0x50  }
0xad: {  	[sflag:s29] =	ssyncset.done $0x0  }
0xae: {  	[sflag:s29] =	ssyncadd.s32 $0xFFFFFFB0  }
0xaf: {  	_ =	swait.ge [sflag:s9], $0x1400  }
0xb0: {  	[sflag:s9] =	ssyncset.done $0x0  }
0xb1: {  	[sflag:s9] =	ssyncadd.s32 $0xFFFFEC00  }
0xb2: {  	_ =	swait.ge [sflag:s10], $0x1400  }
0xb3: {  	[sflag:s10] =	ssyncset.done $0x0  }
0xb4: {  	s21 =	simm.s32 $0x16B00;
	[sflag:s10] =	ssyncadd.s32 $0xFFFFEC00  }
0xb5: {  	[spmem:s3] =	stream.indirect.scatter.add.f32 [tilespmem:s28], [sflag:$0x5], $0x80, s21, s11, $0xb8;
	[tilespmem:$0x1FB00] =	vst v63  }
0xb6: {  	_ =	swait.ge [sflag:s19], $0x2800  }
0xb7: {  	[sflag:s19] =	ssyncset.done $0x0  }
0xb8: {  	s25 =	simm.s32 $0x14370;
	[sflag:s19] =	ssyncadd.s32 $0xFFFFD800  }
0xb9: {  	[tilespmem:s12], [sflag:$0x2] =	stream.indirect.gather [hbm4b:s0+s2], $0x80, s25, s2, $0xb8;
	[tilespmem:$0x1FB00] =	vst v63  }
0xba: {  	s23 =	simm.s32 $0x14398  }
0xbb: {  	[tilespmem:s13], [sflag:$0x4] =	stream.indirect.gather [hbm4b:s0+s2], $0x80, s23, s2, $0xb8;
	[tilespmem:$0x1FB00] =	vst v63  }
0xbc: {  	_ = 	snop  }
0xbd: {  	[spmem:s4] =	stream.indirect.scatter.add.f32 [tilespmem:s14], [sflag:$0x7], $0x1, s21, s11, $0xb8;
	[tilespmem:$0x1FB00] =	vst v63  }
0xbe: {  	_ =	swait.ge [sflag:s29], $0x50  }
0xbf: {  	[sflag:s29] =	ssyncset.done $0x0  }
0xc0: {  	[sflag:s29] =	ssyncadd.s32 $0xFFFFFFB0  }
0xc1: {  	_ =	swait.ge [sflag:s15], $0x1400  }
0xc2: {  	[sflag:s15] =	ssyncset.done $0x0  }
0xc3: {  	[sflag:s15] =	ssyncadd.s32 $0xFFFFEC00  }
0xc4: {  	_ =	swait.ge [sflag:s16], $0x1400  }
0xc5: {  	[sflag:s16] =	ssyncset.done $0x0  }
0xc6: {  	s22 =	simm.s32 $0x16B80;
	[sflag:s16] =	ssyncadd.s32 $0xFFFFEC00  }
0xc7: {  	[spmem:s3] =	stream.indirect.scatter.add.f32 [tilespmem:s12], [sflag:$0x6], $0x80, s22, s11, $0xb8;
	[tilespmem:$0x1FB00] =	vst v63  }
0xc8: {  	_ =	swait.ge [sflag:s18], $0x2800  }
0xc9: {  	[sflag:s18] =	ssyncset.done $0x0  }
0xca: {  	s24 =	simm.s32 $0x143C0;
	[sflag:s18] =	ssyncadd.s32 $0xFFFFD800  }
0xcb: {  	[tilespmem:s28], [sflag:$0x1] =	stream.indirect.gather [hbm4b:s0+s2], $0x80, s24, s2, $0xb8;
	[tilespmem:$0x1FB00] =	vst v63  }
0xcc: {  	s25 =	simm.s32 $0x143E8  }
0xcd: {  	[tilespmem:s8], [sflag:$0x3] =	stream.indirect.gather [hbm4b:s0+s2], $0x80, s25, s2, $0xb8;
	[tilespmem:$0x1FB00] =	vst v63  }
0xce: {  	_ = 	snop  }
0xcf: {  	[spmem:s4] =	stream.indirect.scatter.add.f32 [tilespmem:s14], [sflag:$0x7], $0x1, s22, s11, $0xb8;
	[tilespmem:$0x1FB00] =	vst v63  }
0xd0: {  	_ =	swait.ge [sflag:s29], $0x50  }
0xd1: {  	s22 =	simm.s32 $0x280;
	[sflag:s29] =	ssyncset.done $0x0  }
.LBB2_4:
0xd2: {  	p0 =	sne.s32 s22, $0x9600;
	[sflag:s29] =	ssyncadd.s32 $0xFFFFFFB0;
	s21 =	sadd.s32 $0x100, s21  }
0xd3: {  	s23 =	smov.u32 s22;
	s22 =	sadd.s32 $0x280, s22  }
0xd4: {  	_ =	swait.ge [sflag:s9], $0x1400  }
0xd5: {  	[sflag:s9] =	ssyncset.done $0x0  }
0xd6: {  	[sflag:s9] =	ssyncadd.s32 $0xFFFFEC00  }
0xd7: {  	_ =	swait.ge [sflag:s10], $0x1400  }
0xd8: {  	[sflag:s10] =	ssyncset.done $0x0  }
0xd9: {  	[sflag:s10] =	ssyncadd.s32 $0xFFFFEC00  }
0xda: {  	[spmem:s3] =	stream.indirect.scatter.add.f32 [tilespmem:s28], [sflag:$0x5], $0x80, s21, s11, $0xb8;
	[tilespmem:$0x1FB00] =	vst v63  }
0xdb: {  	_ =	swait.ge [sflag:s19], $0x2800  }
0xdc: {  	s23 =	sshra.s32 s23, $0x2;
	[sflag:s19] =	ssyncset.done $0x0  }
0xdd: {  	s24 =	sadd.s32 $0x14370, s23;
	[sflag:s19] =	ssyncadd.s32 $0xFFFFD800  }
0xde: {  	[tilespmem:s12], [sflag:$0x2] =	stream.indirect.gather [hbm4b:s0+s2], $0x80, s24, s2, $0xb8;
	[tilespmem:$0x1FB00] =	vst v63  }
0xdf: {  	s24 =	sadd.s32 $0x14398, s23  }
0xe0: {  	[tilespmem:s13], [sflag:$0x4] =	stream.indirect.gather [hbm4b:s0+s2], $0x80, s24, s2, $0xb8;
	[tilespmem:$0x1FB00] =	vst v63  }
0xe1: {  	_ = 	snop  }
0xe2: {  	[spmem:s4] =	stream.indirect.scatter.add.f32 [tilespmem:s14], [sflag:$0x7], $0x1, s21, s11, $0xb8;
	[tilespmem:$0x1FB00] =	vst v63  }
0xe3: {  	_ =	swait.ge [sflag:s29], $0x50  }
0xe4: {  	[sflag:s29] =	ssyncset.done $0x0  }
0xe5: {  	[sflag:s29] =	ssyncadd.s32 $0xFFFFFFB0  }
0xe6: {  	_ =	swait.ge [sflag:s15], $0x1400  }
0xe7: {  	[sflag:s15] =	ssyncset.done $0x0  }
0xe8: {  	[sflag:s15] =	ssyncadd.s32 $0xFFFFEC00  }
0xe9: {  	_ =	swait.ge [sflag:s16], $0x1400  }
0xea: {  	[sflag:s16] =	ssyncset.done $0x0  }
0xeb: {  	s24 =	sadd.s32 $0x80, s21;
	[sflag:s16] =	ssyncadd.s32 $0xFFFFEC00  }
0xec: {  	[spmem:s3] =	stream.indirect.scatter.add.f32 [tilespmem:s12], [sflag:$0x6], $0x80, s24, s11, $0xb8;
	[tilespmem:$0x1FB00] =	vst v63  }
0xed: {  	_ =	swait.ge [sflag:s18], $0x2800  }
0xee: {  	[sflag:s18] =	ssyncset.done $0x0  }
0xef: {  	s25 =	sadd.s32 $0x143C0, s23;
	[sflag:s18] =	ssyncadd.s32 $0xFFFFD800  }
0xf0: {  	[tilespmem:s28], [sflag:$0x1] =	stream.indirect.gather [hbm4b:s0+s2], $0x80, s25, s2, $0xb8;
	[tilespmem:$0x1FB00] =	vst v63  }
0xf1: {  	s23 =	sadd.s32 $0x143E8, s23  }
0xf2: {  	[tilespmem:s8], [sflag:$0x3] =	stream.indirect.gather [hbm4b:s0+s2], $0x80, s23, s2, $0xb8;
	[tilespmem:$0x1FB00] =	vst v63  }
.Ltmp1:
0xf3: {  	_ = 	snop;
	(pc) =	sbr.rel @p0 .LBB2_4-.Ltmp1, $4  }
0xf4: {  	_ = 	snop  }
0xf5: {  	[spmem:s4] =	stream.indirect.scatter.add.f32 [tilespmem:s14], [sflag:$0x7], $0x1, s24, s11, $0xb8;
	[tilespmem:$0x1FB00] =	vst v63  }
0xf6: {  	_ =	swait.ge [sflag:s29], $0x50  }
0xf7: {  	[sflag:s29] =	ssyncset.done $0x0  }
0xf8: {  	[sflag:s29] =	ssyncadd.s32 $0xFFFFFFB0  }
0xf9: {  	_ =	swait.ge [sflag:s9], $0x1400  }
0xfa: {  	[sflag:s9] =	ssyncset.done $0x0  }
0xfb: {  	[sflag:s9] =	ssyncadd.s32 $0xFFFFEC00  }
0xfc: {  	_ =	swait.ge [sflag:s10], $0x1400  }
0xfd: {  	[sflag:s10] =	ssyncset.done $0x0  }
0xfe: {  	[sflag:s10] =	ssyncadd.s32 $0xFFFFEC00  }
0xff: {  	[spmem:s3] =	stream.indirect.scatter.add.f32 [tilespmem:s28], [sflag:$0x5], $0x80, s20, s11, $0xb8;
	[tilespmem:$0x1FB00] =	vst v63  }
0x100: {  	_ =	swait.ge [sflag:s19], $0x2800  }
0x101: {  	[sflag:s19] =	ssyncset.done $0x0  }
0x102: {  	[sflag:s19] =	ssyncadd.s32 $0xFFFFD800  }
0x103: {  	[spmem:s4] =	stream.indirect.scatter.add.f32 [tilespmem:s14], [sflag:$0x7], $0x1, s20, s11, $0xb8;
	[tilespmem:$0x1FB00] =	vst v63  }
0x104: {  	_ =	swait.ge [sflag:s29], $0x50  }
0x105: {  	[sflag:s29] =	ssyncset.done $0x0  }
0x106: {  	[sflag:s29] =	ssyncadd.s32 $0xFFFFFFB0  }
0x107: {  	_ =	swait.ge [sflag:s18], $0x2800  }
0x108: {  	[sflag:s18] =	ssyncset.done $0x0  }
0x109: {  	s21 =	stileid.u32;
	[sflag:s18] =	ssyncadd.s32 $0xFFFFD800  }
0x10a: {  	s22 =	sshrl.u32 s6, $0x3;
	s21 =	sshll.u32 s21, $0x6;
	[bflag:$0x0] =	sbarrier.arrive $0xFFFF  }
0x10b: {  	s24 =	simm.s32 $0x20;
	s21 =	sor.u32 $0x1C07, s21;
	s23 =	rddreg [dreg:$0x16]  }
0x10c: {  	[hbm:s23], [sflag:s21] =	dma.local [spmem:s22], $0x2800  }
0x10d: {  	s25 =	simm.s32 $0x10;
	s5 =	sadd.s32 $0x1, s5;
	_ =	swait.ge [sflag:s29], $0x2800  }
0x10e: {  	p0 =	sne.s32 s5, s26;
	s22 =	sshrl.u32 s7, $0x3;
	[sflag:s29] =	ssyncset.done $0x0  }
.Ltmp2:
0x10f: {  	s23 =	rddreg [dreg:$0x17];
	[sflag:s29] =	ssyncadd.s32 $0xFFFFD800;
	(pc) =	sbr.rel @p0 .LBB2_1-.Ltmp2, $4  }
0x110: {  	[hbm:s23@s24], [sflag:s21] =	dma.strided [spmem:s22@s25], $0x50, s9, $0x10   }
0x111: {  	_ =	swait.ge [sflag:s29], $0x50  }
0x112: {  	[sflag:s29] =	ssyncset.done $0x0  }
0x113: {  	[sflag:s29] =	ssyncadd.s32 $0xFFFFFFB0  }
0x114: {  	_ =	sfence.sel $0x180000  }
0x115: {  	[bflag:$0x0] =	sbarrier.arrive $0xFFFF  }
0x116: {  	_ =	strace $0x90000047  }
0x117: {  	s0 =	stileid.u32;
	[bflag:$0x2] =	sbarrier.arrive $0xFFFF  }
0x118: {  	p0 =	sne.s32 s0, $0x0;
	s0 =	rddreg [dreg:$0x5]  }
0x119: {  	s0 =	sadd.s32 @!p0 $0x100000, s0  }
0x11a: {  	[sflag:s0] =	ssyncadd.tile.s32 @!p0 $0x1;
	_ =	shalt  }
.Lfunc_end2:
_tile_overlayer_lowered:
.L_overlay_start_2:
0x11b: {  	(tag) =	ssettag $0x2  }
0x11c: {  	s0 =	rddreg [dreg:$0x0];
	s2 =	stileid.u32  }
0x11d: {  	s1 =	rddreg [dreg:$0x1];
	p0 =	sne.s32 s2, $0x0  }
0x11e: {  	s3 =	rddreg [dreg:$0x2];
	[bflag:$0x3] =	sbarrier.arrive $0xFFFF;
	s2 =	simm.s32 @!p0 $0x1C07  }
0x11f: {  	[timem:s3], [sflag:s2] =	dma.local @!p0 [hbm:s0], s1  }
0x120: {  	s0 =	simm.s32 @!p0 $0x7  }
0x121: {  	_ =	swait.ge @!p0 [sflag:s0], s1  }
0x122: {  	s1 =	ssub.s32 @!p0 $0x0, s1;
	[sflag:s0] =	ssyncset.done @!p0 $0x0  }
0x123: {  	[sflag:s0] =	ssyncadd.s32 @!p0 s1  }
0x124: {  	[bflag:$0x3] =	sbarrier.arrive $0xFFFF  }
0x125: {  	_ =	shalt  }

</sc_bundles>
